<compile_context>
chip_gen: v7x
topology: tpu7x:2x2x1
jax: 0.10.2.dev20260603
libtpu: 0.0.44.dev20260713+nightly
codegen_flags: <defaults>
</compile_context>

<pallas_src>
import functools

import jax
import jax.numpy as jnp
from jax import lax
from jax.experimental import pallas as pl
from jax.experimental.pallas import tpu as pltpu
from jax.experimental.pallas import tpu_sc as plsc

N = 10000
E = 320000
D = 128
NC, NS = 2, 16
NW = NC * NS
EPW = E // NW
CH = 80
NIT = EPW // CH
NPAD = 10240
RPS = NPAD // NS

_mesh = plsc.VectorSubcoreMesh(core_axis_name="c", subcore_axis_name="s")


@functools.partial(
    pl.kernel,
    mesh=_mesh,
    out_type=jax.ShapeDtypeStruct((NC, NPAD, D), jnp.float32),
    scratch_types=[
        pltpu.VMEM((CH,), jnp.int32),
        pltpu.VMEM((CH,), jnp.int32),
        pltpu.VMEM((CH,), jnp.int32),
        pltpu.VMEM((CH, D), jnp.float32),
        pltpu.VMEM_SHARED((NPAD, D), jnp.float32),
        pltpu.SemaphoreType.DMA,
    ],
)
def _sum_agg(h_hbm, src_hbm, dst_hbm, iota_hbm, z_d_hbm,
             psums_hbm, src_v, dst_v, own_v, rows_v, acc_s, sem):
    c = lax.axis_index("c")
    s = lax.axis_index("s")
    rbase = s * RPS

    pltpu.sync_copy(z_d_hbm, rows_v)

    def zstep(k, carry):
        pltpu.sync_copy(iota_hbm.at[pl.ds(rbase + k * CH, CH)], own_v)
        pltpu.sync_copy(rows_v, acc_s.at[own_v])
        return carry

    lax.fori_loop(0, RPS // CH, zstep, 0)
    plsc.subcore_barrier()

    ebase = (s * NC + c) * EPW

    def step(i, carry):
        off = ebase + i * CH
        pltpu.sync_copy(src_hbm.at[pl.ds(off, CH)], src_v)
        pltpu.sync_copy(dst_hbm.at[pl.ds(off, CH)], dst_v)
        pltpu.async_copy(h_hbm.at[src_v], rows_v, sem).wait()
        pltpu.sync_copy(rows_v, acc_s.at[dst_v], add=True)
        return carry

    lax.fori_loop(0, NIT, step, 0)
    plsc.subcore_barrier()

    def wstep(k, carry):
        r = rbase + k * CH
        pltpu.sync_copy(iota_hbm.at[pl.ds(r, CH)], own_v)
        pltpu.async_copy(acc_s.at[own_v], rows_v, sem).wait()
        pltpu.sync_copy(rows_v, psums_hbm.at[c, pl.ds(r, CH)])
        return carry

    lax.fori_loop(0, RPS // CH, wstep, 0)


@functools.partial(
    pl.kernel,
    mesh=_mesh,
    out_type=jax.ShapeDtypeStruct((NC, NPAD, D), jnp.float32),
    scratch_types=[
        pltpu.VMEM((CH,), jnp.int32),
        pltpu.VMEM((CH,), jnp.int32),
        pltpu.VMEM((CH, D), jnp.float32),
        pltpu.VMEM((CH, D), jnp.float32),
        pltpu.VMEM_SHARED((NPAD, D), jnp.float32),
        pltpu.SemaphoreType.DMA,
    ],
)
def _cnt_agg(dst_hbm, iota_hbm, z_d_hbm, ones_hbm,
             pcnts_hbm, dst_v, own_v, rows_v, ones_v, cnt_s, sem):
    c = lax.axis_index("c")
    s = lax.axis_index("s")
    rbase = s * RPS

    pltpu.sync_copy(z_d_hbm, rows_v)
    pltpu.sync_copy(ones_hbm, ones_v)

    def zstep(k, carry):
        pltpu.sync_copy(iota_hbm.at[pl.ds(rbase + k * CH, CH)], own_v)
        pltpu.sync_copy(rows_v, cnt_s.at[own_v])
        return carry

    lax.fori_loop(0, RPS // CH, zstep, 0)
    plsc.subcore_barrier()

    ebase = (s * NC + c) * EPW

    def step(i, carry):
        off = ebase + i * CH
        pltpu.sync_copy(dst_hbm.at[pl.ds(off, CH)], dst_v)
        pltpu.sync_copy(ones_v, cnt_s.at[dst_v], add=True)
        return carry

    lax.fori_loop(0, NIT, step, 0)
    plsc.subcore_barrier()

    def wstep(k, carry):
        r = rbase + k * CH
        pltpu.sync_copy(iota_hbm.at[pl.ds(r, CH)], own_v)
        pltpu.async_copy(cnt_s.at[own_v], rows_v, sem).wait()
        pltpu.sync_copy(rows_v, pcnts_hbm.at[c, pl.ds(r, CH)])
        return carry

    lax.fori_loop(0, RPS // CH, wstep, 0)


BLK = 2000


def _combine_body(h_ref, s0_ref, s1_ref, c0_ref, c1_ref, o_ref):
    cnt = c0_ref[0][:, 0:1] + c1_ref[0][:, 0:1]
    sums = s0_ref[0] + s1_ref[0]
    o_ref[...] = h_ref[...] - sums / jnp.maximum(cnt, 1.0)


_combine = pl.pallas_call(
    _combine_body,
    grid=(N // BLK,),
    in_specs=[
        pl.BlockSpec((BLK, D), lambda i: (i, 0)),
        pl.BlockSpec((1, BLK, D), lambda i: (0, i, 0)),
        pl.BlockSpec((1, BLK, D), lambda i: (1, i, 0)),
        pl.BlockSpec((1, BLK, D), lambda i: (0, i, 0)),
        pl.BlockSpec((1, BLK, D), lambda i: (1, i, 0)),
    ],
    out_specs=pl.BlockSpec((BLK, D), lambda i: (i, 0)),
    out_shape=jax.ShapeDtypeStruct((N, D), jnp.float32),
)


def kernel(h, edge_index):
    ei = edge_index.astype(jnp.int32)
    src = ei[0]
    dst = ei[1]
    iota = jnp.arange(NPAD, dtype=jnp.int32)
    z_d = jnp.zeros((CH, D), jnp.float32)
    ones = jnp.ones((CH, D), jnp.float32)
    psums = _sum_agg(h, src, dst, iota, z_d)
    pcnts = _cnt_agg(dst, iota, z_d, ones)
    return _combine(h, psums, psums, pcnts, pcnts)

# --- scband reference (transcript-rebuilt; emitter-appended) ---
"""Pipeline reference for scband-mean-aggregator-12000138625511 (READ-ONLY COPY).

The authoritative reference and input builder live on the scoring server;
editing this copy changes nothing except your own understanding.
"""

import jax, jax.numpy as jnp
import numpy as np

N_NODES = 10000
N_EDGES = 320000
D_FEAT = 128

def setup_inputs(seed: int = 0) -> dict:
    key = jax.random.key(seed)
    k1, k2 = jax.random.split(key)
    h = jax.random.normal(k1, (N_NODES, D_FEAT), dtype=jnp.float32)
    edge_index = jax.random.randint(k2, (2, N_EDGES), 0, N_NODES, dtype=jnp.int64)
    return {"h": h, "edge_index": edge_index}

def reference(h, edge_index):
    # Faithful JAX translation of MeanAggregator.extract_H_diff(mode='local'):
    # graph.update_all(fn.copy_u('h','m'), fn.mean('m','neigh'))
    # neigh[v] = mean over incoming edges (u->v) of h[u]; diff = h - neigh
    src = edge_index[0]
    dst = edge_index[1]
    n = h.shape[0]
    msgs = jnp.take(h, src, axis=0)                      # gather source features
    sums = jax.ops.segment_sum(msgs, dst, num_segments=n)  # scatter-add by dst
    counts = jax.ops.segment_sum(jnp.ones((src.shape[0],), dtype=h.dtype), dst, num_segments=n)
    neigh_means = sums / jnp.maximum(counts, 1.0)[:, None]
    diff = h - neigh_means
    return diff

if __name__ == "__main__":
    import jax
    _d = setup_inputs()
    print(jax.jit(kernel)(*tuple(_d.values())))

</pallas_src>

<mosaic_0001>
#map = affine_map<(d0, d1) -> (0)>
#map1 = affine_map<(d0, d1) -> (0, 0)>
#map2 = affine_map<(d0, d1) -> (0, 0, 0)>
module attributes {stable_mosaic.version = 14 : i64} {
  func.func @_cnt_agg(%arg0: i32, %arg1: i32, %arg2: memref<320000xi32, #tpu.memory_space<hbm>>, %arg3: memref<10240xi32, #tpu.memory_space<hbm>>, %arg4: memref<80x128xf32, #tpu.memory_space<hbm>>, %arg5: memref<80x128xf32, #tpu.memory_space<hbm>>, %arg6: memref<2x10240x128xf32, #tpu.memory_space<hbm>>, %arg7: memref<80xi32, #tpu.memory_space<vmem>>, %arg8: memref<80xi32, #tpu.memory_space<vmem>>, %arg9: memref<80x128xf32, #tpu.memory_space<vmem>>, %arg10: memref<80x128xf32, #tpu.memory_space<vmem>>, %arg11: memref<10240x128xf32, #tpu.memory_space<vmem_shared>>, %arg12: memref<!tpu.dma_semaphore, #tpu.memory_space<semaphore_mem>>) attributes {dimension_semantics = [#tpu.dimension_semantics<core_parallel>, #tpu.dimension_semantics<subcore_parallel>], iteration_bounds = array<i64: 2, 16>, scalar_prefetch = 0 : i64, scratch_operands = 6 : i64, tpu.core_type = #tpu.core_type<sc_vector_subcore>, window_params = [{transform_indices = #map}, {transform_indices = #map}, {transform_indices = #map1}, {transform_indices = #map1}, {transform_indices = #map2}]} {
    %mul3A = arith.constant 640 : i32
    %mul3A_0 = arith.muli %arg1, %mul3A : i32
    "tpu.region"() ({
      %run_scoped3A = tpu.sem_alloc : memref<!tpu.dma_semaphore, #tpu.memory_space<semaphore_mem>>
      tpu.enqueue_dma source(%arg4 : memref<80x128xf32, #tpu.memory_space<hbm>>) target(%arg9 : memref<80x128xf32, #tpu.memory_space<vmem>>) target_semaphore(%run_scoped3A : memref<!tpu.dma_semaphore, #tpu.memory_space<semaphore_mem>>)
      tpu.wait_dma2 semaphore(%run_scoped3A : memref<!tpu.dma_semaphore, #tpu.memory_space<semaphore_mem>>) src(%arg4 : memref<80x128xf32, #tpu.memory_space<hbm>>) dst(%arg9 : memref<80x128xf32, #tpu.memory_space<vmem>>)
      tpu.yield
    }) : () -> ()
    "tpu.region"() ({
      %run_scoped3A = tpu.sem_alloc : memref<!tpu.dma_semaphore, #tpu.memory_space<semaphore_mem>>
      tpu.enqueue_dma source(%arg5 : memref<80x128xf32, #tpu.memory_space<hbm>>) target(%arg10 : memref<80x128xf32, #tpu.memory_space<vmem>>) target_semaphore(%run_scoped3A : memref<!tpu.dma_semaphore, #tpu.memory_space<semaphore_mem>>)
      tpu.wait_dma2 semaphore(%run_scoped3A : memref<!tpu.dma_semaphore, #tpu.memory_space<semaphore_mem>>) src(%arg5 : memref<80x128xf32, #tpu.memory_space<hbm>>) dst(%arg10 : memref<80x128xf32, #tpu.memory_space<vmem>>)
      tpu.yield
    }) : () -> ()
    %scan3A = arith.constant 0 : i32
    %scan3A_1 = arith.constant 0 : i32
    %scan3A_2 = arith.constant 8 : i32
    %scan3A_3 = arith.addi %scan3A_1, %scan3A_2 : i32
    %scan3A_4 = arith.constant 1 : i32
    scf.for %scan3A_23 = %scan3A_1 to %scan3A_3 step %scan3A_4  : i32 {
      %mul3A_24 = arith.constant 80 : i32
      %mul3A_25 = arith.muli %scan3A_23, %mul3A_24 : i32
      %add3A_26 = arith.addi %mul3A_0, %mul3A_25 : i32
      "tpu.region"() ({
        %run_scoped3A = tpu.sem_alloc : memref<!tpu.dma_semaphore, #tpu.memory_space<semaphore_mem>>
        %dma_start3A = tpu.memref_slice %arg3[%add3A_26] : memref<10240xi32, #tpu.memory_space<hbm>> -> memref<80xi32, #tpu.memory_space<hbm>>
        %dma_start3A_27 = tpu.memref_slice %arg3[%add3A_26] : memref<10240xi32, #tpu.memory_space<hbm>> -> memref<80xi32, #tpu.memory_space<hbm>>
        tpu.enqueue_dma source(%dma_start3A_27 : memref<80xi32, #tpu.memory_space<hbm>>) target(%arg8 : memref<80xi32, #tpu.memory_space<vmem>>) target_semaphore(%run_scoped3A : memref<!tpu.dma_semaphore, #tpu.memory_space<semaphore_mem>>)
        %dma_wait3A = tpu.memref_slice %arg3[%add3A_26] : memref<10240xi32, #tpu.memory_space<hbm>> -> memref<80xi32, #tpu.memory_space<hbm>>
        %dma_wait3A_28 = tpu.memref_slice %arg3[%add3A_26] : memref<10240xi32, #tpu.memory_space<hbm>> -> memref<80xi32, #tpu.memory_space<hbm>>
        tpu.wait_dma2 semaphore(%run_scoped3A : memref<!tpu.dma_semaphore, #tpu.memory_space<semaphore_mem>>) src(%dma_wait3A_28 : memref<80xi32, #tpu.memory_space<hbm>>) dst(%arg8 : memref<80xi32, #tpu.memory_space<vmem>>)
        tpu.yield
      }) : () -> ()
      "tpu.region"() ({
        %run_scoped3A = tpu.sem_alloc : memref<!tpu.dma_semaphore, #tpu.memory_space<semaphore_mem>>
        %dma_start3A = arith.constant 0 : i32
        %dma_start3A_27 = arith.constant 0 : i32
        %dma_start3A_28 = tpu.memref_slice %arg11[%dma_start3A, %dma_start3A_27] : memref<10240x128xf32, #tpu.memory_space<vmem_shared>> -> memref<10240x128xf32, #tpu.memory_space<vmem_shared>>
        tpu.enqueue_indirect_dma source(%arg9 : memref<80x128xf32, #tpu.memory_space<vmem>>) target(%dma_start3A_28 : memref<10240x128xf32, #tpu.memory_space<vmem_shared>>) offsets(%arg8 : memref<80xi32, #tpu.memory_space<vmem>>) semaphore(%run_scoped3A : memref<!tpu.dma_semaphore, #tpu.memory_space<semaphore_mem>>)
        %dma_wait3A = arith.constant 0 : i32
        %dma_wait3A_29 = arith.constant 0 : i32
        %dma_wait3A_30 = tpu.memref_slice %arg11[%dma_wait3A, %dma_wait3A_29] : memref<10240x128xf32, #tpu.memory_space<vmem_shared>> -> memref<10240x128xf32, #tpu.memory_space<vmem_shared>>
        tpu.wait_indirect_dma semaphore(%run_scoped3A : memref<!tpu.dma_semaphore, #tpu.memory_space<semaphore_mem>>) src(%arg9 : memref<80x128xf32, #tpu.memory_space<vmem>>) dst(%dma_wait3A_30 : memref<10240x128xf32, #tpu.memory_space<vmem_shared>>)
        tpu.yield
      }) : () -> ()
    }
    %scan3A_5 = arith.constant 8 : i32
    %barrier3A = arith.constant 0 : index
    tpu.barrier barrier_id(%barrier3A)
    %mul3A_6 = arith.constant 2 : i32
    %mul3A_7 = arith.muli %arg1, %mul3A_6 : i32
    %add3A = arith.addi %mul3A_7, %arg0 : i32
    %mul3A_8 = arith.constant 10000 : i32
    %mul3A_9 = arith.muli %add3A, %mul3A_8 : i32
    %scan3A_10 = arith.constant 0 : i32
    %scan3A_11 = arith.constant 0 : i32
    %scan3A_12 = arith.constant 125 : i32
    %scan3A_13 = arith.addi %scan3A_11, %scan3A_12 : i32
    %scan3A_14 = arith.constant 1 : i32
    scf.for %scan3A_23 = %scan3A_11 to %scan3A_13 step %scan3A_14  : i32 {
      %mul3A_24 = arith.constant 80 : i32
      %mul3A_25 = arith.muli %scan3A_23, %mul3A_24 : i32
      %add3A_26 = arith.addi %mul3A_9, %mul3A_25 : i32
      "tpu.region"() ({
        %run_scoped3A = tpu.sem_alloc : memref<!tpu.dma_semaphore, #tpu.memory_space<semaphore_mem>>
        %dma_start3A = tpu.memref_slice %arg2[%add3A_26] : memref<320000xi32, #tpu.memory_space<hbm>> -> memref<80xi32, #tpu.memory_space<hbm>>
        %dma_start3A_27 = tpu.memref_slice %arg2[%add3A_26] : memref<320000xi32, #tpu.memory_space<hbm>> -> memref<80xi32, #tpu.memory_space<hbm>>
        tpu.enqueue_dma source(%dma_start3A_27 : memref<80xi32, #tpu.memory_space<hbm>>) target(%arg7 : memref<80xi32, #tpu.memory_space<vmem>>) target_semaphore(%run_scoped3A : memref<!tpu.dma_semaphore, #tpu.memory_space<semaphore_mem>>)
        %dma_wait3A = tpu.memref_slice %arg2[%add3A_26] : memref<320000xi32, #tpu.memory_space<hbm>> -> memref<80xi32, #tpu.memory_space<hbm>>
        %dma_wait3A_28 = tpu.memref_slice %arg2[%add3A_26] : memref<320000xi32, #tpu.memory_space<hbm>> -> memref<80xi32, #tpu.memory_space<hbm>>
        tpu.wait_dma2 semaphore(%run_scoped3A : memref<!tpu.dma_semaphore, #tpu.memory_space<semaphore_mem>>) src(%dma_wait3A_28 : memref<80xi32, #tpu.memory_space<hbm>>) dst(%arg7 : memref<80xi32, #tpu.memory_space<vmem>>)
        tpu.yield
      }) : () -> ()
      "tpu.region"() ({
        %run_scoped3A = tpu.sem_alloc : memref<!tpu.dma_semaphore, #tpu.memory_space<semaphore_mem>>
        %dma_start3A = arith.constant 0 : i32
        %dma_start3A_27 = arith.constant 0 : i32
        %dma_start3A_28 = tpu.memref_slice %arg11[%dma_start3A, %dma_start3A_27] : memref<10240x128xf32, #tpu.memory_space<vmem_shared>> -> memref<10240x128xf32, #tpu.memory_space<vmem_shared>>
        tpu.enqueue_indirect_dma source(%arg10 : memref<80x128xf32, #tpu.memory_space<vmem>>) target(%dma_start3A_28 : memref<10240x128xf32, #tpu.memory_space<vmem_shared>>) offsets(%arg7 : memref<80xi32, #tpu.memory_space<vmem>>) semaphore(%run_scoped3A : memref<!tpu.dma_semaphore, #tpu.memory_space<semaphore_mem>>) {add = true}
        %dma_wait3A = arith.constant 0 : i32
        %dma_wait3A_29 = arith.constant 0 : i32
        %dma_wait3A_30 = tpu.memref_slice %arg11[%dma_wait3A, %dma_wait3A_29] : memref<10240x128xf32, #tpu.memory_space<vmem_shared>> -> memref<10240x128xf32, #tpu.memory_space<vmem_shared>>
        tpu.wait_indirect_dma semaphore(%run_scoped3A : memref<!tpu.dma_semaphore, #tpu.memory_space<semaphore_mem>>) src(%arg10 : memref<80x128xf32, #tpu.memory_space<vmem>>) dst(%dma_wait3A_30 : memref<10240x128xf32, #tpu.memory_space<vmem_shared>>)
        tpu.yield
      }) : () -> ()
    }
    %scan3A_15 = arith.constant 125 : i32
    %barrier3A_16 = arith.constant 0 : index
    tpu.barrier barrier_id(%barrier3A_16)
    %scan3A_17 = arith.constant 0 : i32
    %scan3A_18 = arith.constant 0 : i32
    %scan3A_19 = arith.constant 8 : i32
    %scan3A_20 = arith.addi %scan3A_18, %scan3A_19 : i32
    %scan3A_21 = arith.constant 1 : i32
    scf.for %scan3A_23 = %scan3A_18 to %scan3A_20 step %scan3A_21  : i32 {
      %mul3A_24 = arith.constant 80 : i32
      %mul3A_25 = arith.muli %scan3A_23, %mul3A_24 : i32
      %add3A_26 = arith.addi %mul3A_0, %mul3A_25 : i32
      "tpu.region"() ({
        %run_scoped3A = tpu.sem_alloc : memref<!tpu.dma_semaphore, #tpu.memory_space<semaphore_mem>>
        %dma_start3A_31 = tpu.memref_slice %arg3[%add3A_26] : memref<10240xi32, #tpu.memory_space<hbm>> -> memref<80xi32, #tpu.memory_space<hbm>>
        %dma_start3A_32 = tpu.memref_slice %arg3[%add3A_26] : memref<10240xi32, #tpu.memory_space<hbm>> -> memref<80xi32, #tpu.memory_space<hbm>>
        tpu.enqueue_dma source(%dma_start3A_32 : memref<80xi32, #tpu.memory_space<hbm>>) target(%arg8 : memref<80xi32, #tpu.memory_space<vmem>>) target_semaphore(%run_scoped3A : memref<!tpu.dma_semaphore, #tpu.memory_space<semaphore_mem>>)
        %dma_wait3A_33 = tpu.memref_slice %arg3[%add3A_26] : memref<10240xi32, #tpu.memory_space<hbm>> -> memref<80xi32, #tpu.memory_space<hbm>>
        %dma_wait3A_34 = tpu.memref_slice %arg3[%add3A_26] : memref<10240xi32, #tpu.memory_space<hbm>> -> memref<80xi32, #tpu.memory_space<hbm>>
        tpu.wait_dma2 semaphore(%run_scoped3A : memref<!tpu.dma_semaphore, #tpu.memory_space<semaphore_mem>>) src(%dma_wait3A_34 : memref<80xi32, #tpu.memory_space<hbm>>) dst(%arg8 : memref<80xi32, #tpu.memory_space<vmem>>)
        tpu.yield
      }) : () -> ()
      %dma_start3A = arith.constant 0 : i32
      %dma_start3A_27 = arith.constant 0 : i32
      %dma_start3A_28 = tpu.memref_slice %arg11[%dma_start3A, %dma_start3A_27] : memref<10240x128xf32, #tpu.memory_space<vmem_shared>> -> memref<10240x128xf32, #tpu.memory_space<vmem_shared>>
      tpu.enqueue_indirect_dma source(%dma_start3A_28 : memref<10240x128xf32, #tpu.memory_space<vmem_shared>>) target(%arg9 : memref<80x128xf32, #tpu.memory_space<vmem>>) offsets(%arg8 : memref<80xi32, #tpu.memory_space<vmem>>) semaphore(%arg12 : memref<!tpu.dma_semaphore, #tpu.memory_space<semaphore_mem>>)
      %dma_wait3A = arith.constant 0 : i32
      %dma_wait3A_29 = arith.constant 0 : i32
      %dma_wait3A_30 = tpu.memref_slice %arg11[%dma_wait3A, %dma_wait3A_29] : memref<10240x128xf32, #tpu.memory_space<vmem_shared>> -> memref<10240x128xf32, #tpu.memory_space<vmem_shared>>
      tpu.wait_indirect_dma semaphore(%arg12 : memref<!tpu.dma_semaphore, #tpu.memory_space<semaphore_mem>>) src(%dma_wait3A_30 : memref<10240x128xf32, #tpu.memory_space<vmem_shared>>) dst(%arg9 : memref<80x128xf32, #tpu.memory_space<vmem>>)
      "tpu.region"() ({
        %run_scoped3A = tpu.sem_alloc : memref<!tpu.dma_semaphore, #tpu.memory_space<semaphore_mem>>
        %dma_start3A_31 = arith.constant 0 : i32
        %dma_start3A_32 = tpu.memref_slice %arg6[%arg0, %add3A_26, %dma_start3A_31] : memref<2x10240x128xf32, #tpu.memory_space<hbm>> -> memref<1x80x128xf32, #tpu.memory_space<hbm>>
        %dma_start3A_33 = tpu.memref_squeeze %dma_start3A_32 : memref<1x80x128xf32, #tpu.memory_space<hbm>> -> memref<80x128xf32, #tpu.memory_space<hbm>>
        %dma_start3A_34 = arith.constant 0 : i32
        %dma_start3A_35 = tpu.memref_slice %arg6[%arg0, %add3A_26, %dma_start3A_34] : memref<2x10240x128xf32, #tpu.memory_space<hbm>> -> memref<1x80x128xf32, #tpu.memory_space<hbm>>
        %dma_start3A_36 = tpu.memref_squeeze %dma_start3A_35 : memref<1x80x128xf32, #tpu.memory_space<hbm>> -> memref<80x128xf32, #tpu.memory_space<hbm>>
        tpu.enqueue_dma source(%arg9 : memref<80x128xf32, #tpu.memory_space<vmem>>) target(%dma_start3A_36 : memref<80x128xf32, #tpu.memory_space<hbm>>) target_semaphore(%run_scoped3A : memref<!tpu.dma_semaphore, #tpu.memory_space<semaphore_mem>>)
        %dma_wait3A_37 = arith.constant 0 : i32
        %dma_wait3A_38 = tpu.memref_slice %arg6[%arg0, %add3A_26, %dma_wait3A_37] : memref<2x10240x128xf32, #tpu.memory_space<hbm>> -> memref<1x80x128xf32, #tpu.memory_space<hbm>>
        %dma_wait3A_39 = tpu.memref_squeeze %dma_wait3A_38 : memref<1x80x128xf32, #tpu.memory_space<hbm>> -> memref<80x128xf32, #tpu.memory_space<hbm>>
        %dma_wait3A_40 = arith.constant 0 : i32
        %dma_wait3A_41 = tpu.memref_slice %arg6[%arg0, %add3A_26, %dma_wait3A_40] : memref<2x10240x128xf32, #tpu.memory_space<hbm>> -> memref<1x80x128xf32, #tpu.memory_space<hbm>>
        %dma_wait3A_42 = tpu.memref_squeeze %dma_wait3A_41 : memref<1x80x128xf32, #tpu.memory_space<hbm>> -> memref<80x128xf32, #tpu.memory_space<hbm>>
        tpu.wait_dma2 semaphore(%run_scoped3A : memref<!tpu.dma_semaphore, #tpu.memory_space<semaphore_mem>>) src(%arg9 : memref<80x128xf32, #tpu.memory_space<vmem>>) dst(%dma_wait3A_42 : memref<80x128xf32, #tpu.memory_space<hbm>>)
        tpu.yield
      }) : () -> ()
    }
    %scan3A_22 = arith.constant 8 : i32
    return
  }
}

#map = affine_map<(d0, d1) -> (0, 0)>
#map1 = affine_map<(d0, d1) -> (0)>
#map2 = affine_map<(d0, d1) -> (0, 0, 0)>
module attributes {stable_mosaic.version = 14 : i64} {
  func.func @_sum_agg(%arg0: i32, %arg1: i32, %arg2: memref<10000x128xf32, #tpu.memory_space<hbm>>, %arg3: memref<320000xi32, #tpu.memory_space<hbm>>, %arg4: memref<320000xi32, #tpu.memory_space<hbm>>, %arg5: memref<10240xi32, #tpu.memory_space<hbm>>, %arg6: memref<80x128xf32, #tpu.memory_space<hbm>>, %arg7: memref<2x10240x128xf32, #tpu.memory_space<hbm>>, %arg8: memref<80xi32, #tpu.memory_space<vmem>>, %arg9: memref<80xi32, #tpu.memory_space<vmem>>, %arg10: memref<80xi32, #tpu.memory_space<vmem>>, %arg11: memref<80x128xf32, #tpu.memory_space<vmem>>, %arg12: memref<10240x128xf32, #tpu.memory_space<vmem_shared>>, %arg13: memref<!tpu.dma_semaphore, #tpu.memory_space<semaphore_mem>>) attributes {dimension_semantics = [#tpu.dimension_semantics<core_parallel>, #tpu.dimension_semantics<subcore_parallel>], iteration_bounds = array<i64: 2, 16>, scalar_prefetch = 0 : i64, scratch_operands = 6 : i64, tpu.core_type = #tpu.core_type<sc_vector_subcore>, window_params = [{transform_indices = #map}, {transform_indices = #map1}, {transform_indices = #map1}, {transform_indices = #map1}, {transform_indices = #map}, {transform_indices = #map2}]} {
    %mul3A = arith.constant 640 : i32
    %mul3A_0 = arith.muli %arg1, %mul3A : i32
    "tpu.region"() ({
      %run_scoped3A = tpu.sem_alloc : memref<!tpu.dma_semaphore, #tpu.memory_space<semaphore_mem>>
      tpu.enqueue_dma source(%arg6 : memref<80x128xf32, #tpu.memory_space<hbm>>) target(%arg11 : memref<80x128xf32, #tpu.memory_space<vmem>>) target_semaphore(%run_scoped3A : memref<!tpu.dma_semaphore, #tpu.memory_space<semaphore_mem>>)
      tpu.wait_dma2 semaphore(%run_scoped3A : memref<!tpu.dma_semaphore, #tpu.memory_space<semaphore_mem>>) src(%arg6 : memref<80x128xf32, #tpu.memory_space<hbm>>) dst(%arg11 : memref<80x128xf32, #tpu.memory_space<vmem>>)
      tpu.yield
    }) : () -> ()
    %scan3A = arith.constant 0 : i32
    %scan3A_1 = arith.constant 0 : i32
    %scan3A_2 = arith.constant 8 : i32
    %scan3A_3 = arith.addi %scan3A_1, %scan3A_2 : i32
    %scan3A_4 = arith.constant 1 : i32
    scf.for %scan3A_23 = %scan3A_1 to %scan3A_3 step %scan3A_4  : i32 {
      %mul3A_24 = arith.constant 80 : i32
      %mul3A_25 = arith.muli %scan3A_23, %mul3A_24 : i32
      %add3A_26 = arith.addi %mul3A_0, %mul3A_25 : i32
      "tpu.region"() ({
        %run_scoped3A = tpu.sem_alloc : memref<!tpu.dma_semaphore, #tpu.memory_space<semaphore_mem>>
        %dma_start3A = tpu.memref_slice %arg5[%add3A_26] : memref<10240xi32, #tpu.memory_space<hbm>> -> memref<80xi32, #tpu.memory_space<hbm>>
        %dma_start3A_27 = tpu.memref_slice %arg5[%add3A_26] : memref<10240xi32, #tpu.memory_space<hbm>> -> memref<80xi32, #tpu.memory_space<hbm>>
        tpu.enqueue_dma source(%dma_start3A_27 : memref<80xi32, #tpu.memory_space<hbm>>) target(%arg10 : memref<80xi32, #tpu.memory_space<vmem>>) target_semaphore(%run_scoped3A : memref<!tpu.dma_semaphore, #tpu.memory_space<semaphore_mem>>)
        %dma_wait3A = tpu.memref_slice %arg5[%add3A_26] : memref<10240xi32, #tpu.memory_space<hbm>> -> memref<80xi32, #tpu.memory_space<hbm>>
        %dma_wait3A_28 = tpu.memref_slice %arg5[%add3A_26] : memref<10240xi32, #tpu.memory_space<hbm>> -> memref<80xi32, #tpu.memory_space<hbm>>
        tpu.wait_dma2 semaphore(%run_scoped3A : memref<!tpu.dma_semaphore, #tpu.memory_space<semaphore_mem>>) src(%dma_wait3A_28 : memref<80xi32, #tpu.memory_space<hbm>>) dst(%arg10 : memref<80xi32, #tpu.memory_space<vmem>>)
        tpu.yield
      }) : () -> ()
      "tpu.region"() ({
        %run_scoped3A = tpu.sem_alloc : memref<!tpu.dma_semaphore, #tpu.memory_space<semaphore_mem>>
        %dma_start3A = arith.constant 0 : i32
        %dma_start3A_27 = arith.constant 0 : i32
        %dma_start3A_28 = tpu.memref_slice %arg12[%dma_start3A, %dma_start3A_27] : memref<10240x128xf32, #tpu.memory_space<vmem_shared>> -> memref<10240x128xf32, #tpu.memory_space<vmem_shared>>
        tpu.enqueue_indirect_dma source(%arg11 : memref<80x128xf32, #tpu.memory_space<vmem>>) target(%dma_start3A_28 : memref<10240x128xf32, #tpu.memory_space<vmem_shared>>) offsets(%arg10 : memref<80xi32, #tpu.memory_space<vmem>>) semaphore(%run_scoped3A : memref<!tpu.dma_semaphore, #tpu.memory_space<semaphore_mem>>)
        %dma_wait3A = arith.constant 0 : i32
        %dma_wait3A_29 = arith.constant 0 : i32
        %dma_wait3A_30 = tpu.memref_slice %arg12[%dma_wait3A, %dma_wait3A_29] : memref<10240x128xf32, #tpu.memory_space<vmem_shared>> -> memref<10240x128xf32, #tpu.memory_space<vmem_shared>>
        tpu.wait_indirect_dma semaphore(%run_scoped3A : memref<!tpu.dma_semaphore, #tpu.memory_space<semaphore_mem>>) src(%arg11 : memref<80x128xf32, #tpu.memory_space<vmem>>) dst(%dma_wait3A_30 : memref<10240x128xf32, #tpu.memory_space<vmem_shared>>)
        tpu.yield
      }) : () -> ()
    }
    %scan3A_5 = arith.constant 8 : i32
    %barrier3A = arith.constant 0 : index
    tpu.barrier barrier_id(%barrier3A)
    %mul3A_6 = arith.constant 2 : i32
    %mul3A_7 = arith.muli %arg1, %mul3A_6 : i32
    %add3A = arith.addi %mul3A_7, %arg0 : i32
    %mul3A_8 = arith.constant 10000 : i32
    %mul3A_9 = arith.muli %add3A, %mul3A_8 : i32
    %scan3A_10 = arith.constant 0 : i32
    %scan3A_11 = arith.constant 0 : i32
    %scan3A_12 = arith.constant 125 : i32
    %scan3A_13 = arith.addi %scan3A_11, %scan3A_12 : i32
    %scan3A_14 = arith.constant 1 : i32
    scf.for %scan3A_23 = %scan3A_11 to %scan3A_13 step %scan3A_14  : i32 {
      %mul3A_24 = arith.constant 80 : i32
      %mul3A_25 = arith.muli %scan3A_23, %mul3A_24 : i32
      %add3A_26 = arith.addi %mul3A_9, %mul3A_25 : i32
      "tpu.region"() ({
        %run_scoped3A = tpu.sem_alloc : memref<!tpu.dma_semaphore, #tpu.memory_space<semaphore_mem>>
        %dma_start3A_31 = tpu.memref_slice %arg3[%add3A_26] : memref<320000xi32, #tpu.memory_space<hbm>> -> memref<80xi32, #tpu.memory_space<hbm>>
        %dma_start3A_32 = tpu.memref_slice %arg3[%add3A_26] : memref<320000xi32, #tpu.memory_space<hbm>> -> memref<80xi32, #tpu.memory_space<hbm>>
        tpu.enqueue_dma source(%dma_start3A_32 : memref<80xi32, #tpu.memory_space<hbm>>) target(%arg8 : memref<80xi32, #tpu.memory_space<vmem>>) target_semaphore(%run_scoped3A : memref<!tpu.dma_semaphore, #tpu.memory_space<semaphore_mem>>)
        %dma_wait3A_33 = tpu.memref_slice %arg3[%add3A_26] : memref<320000xi32, #tpu.memory_space<hbm>> -> memref<80xi32, #tpu.memory_space<hbm>>
        %dma_wait3A_34 = tpu.memref_slice %arg3[%add3A_26] : memref<320000xi32, #tpu.memory_space<hbm>> -> memref<80xi32, #tpu.memory_space<hbm>>
        tpu.wait_dma2 semaphore(%run_scoped3A : memref<!tpu.dma_semaphore, #tpu.memory_space<semaphore_mem>>) src(%dma_wait3A_34 : memref<80xi32, #tpu.memory_space<hbm>>) dst(%arg8 : memref<80xi32, #tpu.memory_space<vmem>>)
        tpu.yield
      }) : () -> ()
      "tpu.region"() ({
        %run_scoped3A = tpu.sem_alloc : memref<!tpu.dma_semaphore, #tpu.memory_space<semaphore_mem>>
        %dma_start3A_31 = tpu.memref_slice %arg4[%add3A_26] : memref<320000xi32, #tpu.memory_space<hbm>> -> memref<80xi32, #tpu.memory_space<hbm>>
        %dma_start3A_32 = tpu.memref_slice %arg4[%add3A_26] : memref<320000xi32, #tpu.memory_space<hbm>> -> memref<80xi32, #tpu.memory_space<hbm>>
        tpu.enqueue_dma source(%dma_start3A_32 : memref<80xi32, #tpu.memory_space<hbm>>) target(%arg9 : memref<80xi32, #tpu.memory_space<vmem>>) target_semaphore(%run_scoped3A : memref<!tpu.dma_semaphore, #tpu.memory_space<semaphore_mem>>)
        %dma_wait3A_33 = tpu.memref_slice %arg4[%add3A_26] : memref<320000xi32, #tpu.memory_space<hbm>> -> memref<80xi32, #tpu.memory_space<hbm>>
        %dma_wait3A_34 = tpu.memref_slice %arg4[%add3A_26] : memref<320000xi32, #tpu.memory_space<hbm>> -> memref<80xi32, #tpu.memory_space<hbm>>
        tpu.wait_dma2 semaphore(%run_scoped3A : memref<!tpu.dma_semaphore, #tpu.memory_space<semaphore_mem>>) src(%dma_wait3A_34 : memref<80xi32, #tpu.memory_space<hbm>>) dst(%arg9 : memref<80xi32, #tpu.memory_space<vmem>>)
        tpu.yield
      }) : () -> ()
      %dma_start3A = arith.constant 0 : i32
      %dma_start3A_27 = arith.constant 0 : i32
      %dma_start3A_28 = tpu.memref_slice %arg2[%dma_start3A, %dma_start3A_27] : memref<10000x128xf32, #tpu.memory_space<hbm>> -> memref<10000x128xf32, #tpu.memory_space<hbm>>
      tpu.enqueue_indirect_dma source(%dma_start3A_28 : memref<10000x128xf32, #tpu.memory_space<hbm>>) target(%arg11 : memref<80x128xf32, #tpu.memory_space<vmem>>) offsets(%arg8 : memref<80xi32, #tpu.memory_space<vmem>>) semaphore(%arg13 : memref<!tpu.dma_semaphore, #tpu.memory_space<semaphore_mem>>)
      %dma_wait3A = arith.constant 0 : i32
      %dma_wait3A_29 = arith.constant 0 : i32
      %dma_wait3A_30 = tpu.memref_slice %arg2[%dma_wait3A, %dma_wait3A_29] : memref<10000x128xf32, #tpu.memory_space<hbm>> -> memref<10000x128xf32, #tpu.memory_space<hbm>>
      tpu.wait_indirect_dma semaphore(%arg13 : memref<!tpu.dma_semaphore, #tpu.memory_space<semaphore_mem>>) src(%dma_wait3A_30 : memref<10000x128xf32, #tpu.memory_space<hbm>>) dst(%arg11 : memref<80x128xf32, #tpu.memory_space<vmem>>)
      "tpu.region"() ({
        %run_scoped3A = tpu.sem_alloc : memref<!tpu.dma_semaphore, #tpu.memory_space<semaphore_mem>>
        %dma_start3A_31 = arith.constant 0 : i32
        %dma_start3A_32 = arith.constant 0 : i32
        %dma_start3A_33 = tpu.memref_slice %arg12[%dma_start3A_31, %dma_start3A_32] : memref<10240x128xf32, #tpu.memory_space<vmem_shared>> -> memref<10240x128xf32, #tpu.memory_space<vmem_shared>>
        tpu.enqueue_indirect_dma source(%arg11 : memref<80x128xf32, #tpu.memory_space<vmem>>) target(%dma_start3A_33 : memref<10240x128xf32, #tpu.memory_space<vmem_shared>>) offsets(%arg9 : memref<80xi32, #tpu.memory_space<vmem>>) semaphore(%run_scoped3A : memref<!tpu.dma_semaphore, #tpu.memory_space<semaphore_mem>>) {add = true}
        %dma_wait3A_34 = arith.constant 0 : i32
        %dma_wait3A_35 = arith.constant 0 : i32
        %dma_wait3A_36 = tpu.memref_slice %arg12[%dma_wait3A_34, %dma_wait3A_35] : memref<10240x128xf32, #tpu.memory_space<vmem_shared>> -> memref<10240x128xf32, #tpu.memory_space<vmem_shared>>
        tpu.wait_indirect_dma semaphore(%run_scoped3A : memref<!tpu.dma_semaphore, #tpu.memory_space<semaphore_mem>>) src(%arg11 : memref<80x128xf32, #tpu.memory_space<vmem>>) dst(%dma_wait3A_36 : memref<10240x128xf32, #tpu.memory_space<vmem_shared>>)
        tpu.yield
      }) : () -> ()
    }
    %scan3A_15 = arith.constant 125 : i32
    %barrier3A_16 = arith.constant 0 : index
    tpu.barrier barrier_id(%barrier3A_16)
    %scan3A_17 = arith.constant 0 : i32
    %scan3A_18 = arith.constant 0 : i32
    %scan3A_19 = arith.constant 8 : i32
    %scan3A_20 = arith.addi %scan3A_18, %scan3A_19 : i32
    %scan3A_21 = arith.constant 1 : i32
    scf.for %scan3A_23 = %scan3A_18 to %scan3A_20 step %scan3A_21  : i32 {
      %mul3A_24 = arith.constant 80 : i32
      %mul3A_25 = arith.muli %scan3A_23, %mul3A_24 : i32
      %add3A_26 = arith.addi %mul3A_0, %mul3A_25 : i32
      "tpu.region"() ({
        %run_scoped3A = tpu.sem_alloc : memref<!tpu.dma_semaphore, #tpu.memory_space<semaphore_mem>>
        %dma_start3A_31 = tpu.memref_slice %arg5[%add3A_26] : memref<10240xi32, #tpu.memory_space<hbm>> -> memref<80xi32, #tpu.memory_space<hbm>>
        %dma_start3A_32 = tpu.memref_slice %arg5[%add3A_26] : memref<10240xi32, #tpu.memory_space<hbm>> -> memref<80xi32, #tpu.memory_space<hbm>>
        tpu.enqueue_dma source(%dma_start3A_32 : memref<80xi32, #tpu.memory_space<hbm>>) target(%arg10 : memref<80xi32, #tpu.memory_space<vmem>>) target_semaphore(%run_scoped3A : memref<!tpu.dma_semaphore, #tpu.memory_space<semaphore_mem>>)
        %dma_wait3A_33 = tpu.memref_slice %arg5[%add3A_26] : memref<10240xi32, #tpu.memory_space<hbm>> -> memref<80xi32, #tpu.memory_space<hbm>>
        %dma_wait3A_34 = tpu.memref_slice %arg5[%add3A_26] : memref<10240xi32, #tpu.memory_space<hbm>> -> memref<80xi32, #tpu.memory_space<hbm>>
        tpu.wait_dma2 semaphore(%run_scoped3A : memref<!tpu.dma_semaphore, #tpu.memory_space<semaphore_mem>>) src(%dma_wait3A_34 : memref<80xi32, #tpu.memory_space<hbm>>) dst(%arg10 : memref<80xi32, #tpu.memory_space<vmem>>)
        tpu.yield
      }) : () -> ()
      %dma_start3A = arith.constant 0 : i32
      %dma_start3A_27 = arith.constant 0 : i32
      %dma_start3A_28 = tpu.memref_slice %arg12[%dma_start3A, %dma_start3A_27] : memref<10240x128xf32, #tpu.memory_space<vmem_shared>> -> memref<10240x128xf32, #tpu.memory_space<vmem_shared>>
      tpu.enqueue_indirect_dma source(%dma_start3A_28 : memref<10240x128xf32, #tpu.memory_space<vmem_shared>>) target(%arg11 : memref<80x128xf32, #tpu.memory_space<vmem>>) offsets(%arg10 : memref<80xi32, #tpu.memory_space<vmem>>) semaphore(%arg13 : memref<!tpu.dma_semaphore, #tpu.memory_space<semaphore_mem>>)
      %dma_wait3A = arith.constant 0 : i32
      %dma_wait3A_29 = arith.constant 0 : i32
      %dma_wait3A_30 = tpu.memref_slice %arg12[%dma_wait3A, %dma_wait3A_29] : memref<10240x128xf32, #tpu.memory_space<vmem_shared>> -> memref<10240x128xf32, #tpu.memory_space<vmem_shared>>
      tpu.wait_indirect_dma semaphore(%arg13 : memref<!tpu.dma_semaphore, #tpu.memory_space<semaphore_mem>>) src(%dma_wait3A_30 : memref<10240x128xf32, #tpu.memory_space<vmem_shared>>) dst(%arg11 : memref<80x128xf32, #tpu.memory_space<vmem>>)
      "tpu.region"() ({
        %run_scoped3A = tpu.sem_alloc : memref<!tpu.dma_semaphore, #tpu.memory_space<semaphore_mem>>
        %dma_start3A_31 = arith.constant 0 : i32
        %dma_start3A_32 = tpu.memref_slice %arg7[%arg0, %add3A_26, %dma_start3A_31] : memref<2x10240x128xf32, #tpu.memory_space<hbm>> -> memref<1x80x128xf32, #tpu.memory_space<hbm>>
        %dma_start3A_33 = tpu.memref_squeeze %dma_start3A_32 : memref<1x80x128xf32, #tpu.memory_space<hbm>> -> memref<80x128xf32, #tpu.memory_space<hbm>>
        %dma_start3A_34 = arith.constant 0 : i32
        %dma_start3A_35 = tpu.memref_slice %arg7[%arg0, %add3A_26, %dma_start3A_34] : memref<2x10240x128xf32, #tpu.memory_space<hbm>> -> memref<1x80x128xf32, #tpu.memory_space<hbm>>
        %dma_start3A_36 = tpu.memref_squeeze %dma_start3A_35 : memref<1x80x128xf32, #tpu.memory_space<hbm>> -> memref<80x128xf32, #tpu.memory_space<hbm>>
        tpu.enqueue_dma source(%arg11 : memref<80x128xf32, #tpu.memory_space<vmem>>) target(%dma_start3A_36 : memref<80x128xf32, #tpu.memory_space<hbm>>) target_semaphore(%run_scoped3A : memref<!tpu.dma_semaphore, #tpu.memory_space<semaphore_mem>>)
        %dma_wait3A_37 = arith.constant 0 : i32
        %dma_wait3A_38 = tpu.memref_slice %arg7[%arg0, %add3A_26, %dma_wait3A_37] : memref<2x10240x128xf32, #tpu.memory_space<hbm>> -> memref<1x80x128xf32, #tpu.memory_space<hbm>>
        %dma_wait3A_39 = tpu.memref_squeeze %dma_wait3A_38 : memref<1x80x128xf32, #tpu.memory_space<hbm>> -> memref<80x128xf32, #tpu.memory_space<hbm>>
        %dma_wait3A_40 = arith.constant 0 : i32
        %dma_wait3A_41 = tpu.memref_slice %arg7[%arg0, %add3A_26, %dma_wait3A_40] : memref<2x10240x128xf32, #tpu.memory_space<hbm>> -> memref<1x80x128xf32, #tpu.memory_space<hbm>>
        %dma_wait3A_42 = tpu.memref_squeeze %dma_wait3A_41 : memref<1x80x128xf32, #tpu.memory_space<hbm>> -> memref<80x128xf32, #tpu.memory_space<hbm>>
        tpu.wait_dma2 semaphore(%run_scoped3A : memref<!tpu.dma_semaphore, #tpu.memory_space<semaphore_mem>>) src(%arg11 : memref<80x128xf32, #tpu.memory_space<vmem>>) dst(%dma_wait3A_42 : memref<80x128xf32, #tpu.memory_space<hbm>>)
        tpu.yield
      }) : () -> ()
    }
    %scan3A_22 = arith.constant 8 : i32
    return
  }
}

module attributes {stable_mosaic.version = 14 : i64} {
  func.func @_combine_body(%arg0: i32, %arg1: memref<2000x128xf32, #tpu.memory_space<vmem>>, %arg2: memref<1x2000x128xf32, #tpu.memory_space<vmem>>, %arg3: memref<1x2000x128xf32, #tpu.memory_space<vmem>>, %arg4: memref<1x2000x128xf32, #tpu.memory_space<vmem>>, %arg5: memref<1x2000x128xf32, #tpu.memory_space<vmem>>, %arg6: memref<2000x128xf32, #tpu.memory_space<vmem>>) attributes {dimension_semantics = [#tpu.dimension_semantics<arbitrary>], iteration_bounds = array<i64: 5>, scalar_prefetch = 0 : i64, scratch_operands = 0 : i64, tpu.core_type = #tpu.core_type<tc>, window_params = [{transform_indices = @transform_0, window_bounds = array<i64: 2000, 128>}, {transform_indices = @transform_1, window_bounds = array<i64: 1, 2000, 128>}, {transform_indices = @transform_2, window_bounds = array<i64: 1, 2000, 128>}, {transform_indices = @transform_3, window_bounds = array<i64: 1, 2000, 128>}, {transform_indices = @transform_4, window_bounds = array<i64: 1, 2000, 128>}, {transform_indices = @transform_5, window_bounds = array<i64: 2000, 128>}]} {
    %get3A = arith.constant 0 : index
    %get3A_0 = arith.constant 0 : index
    %get3A_1 = arith.constant 0 : index
    %get3A_2 = vector.load %arg4[%get3A, %get3A_0, %get3A_1] : memref<1x2000x128xf32, #tpu.memory_space<vmem>>, vector<1x2000x128xf32>
    %get3A_3 = vector.shape_cast %get3A_2 : vector<1x2000x128xf32> to vector<2000x128xf32>
    %slice3A = vector.extract_strided_slice %get3A_3 {offsets = [0, 0], sizes = [2000, 1], strides = [1, 1]} : vector<2000x128xf32> to vector<2000x1xf32>
    %get3A_4 = arith.constant 0 : index
    %get3A_5 = arith.constant 0 : index
    %get3A_6 = arith.constant 0 : index
    %get3A_7 = vector.load %arg5[%get3A_4, %get3A_5, %get3A_6] : memref<1x2000x128xf32, #tpu.memory_space<vmem>>, vector<1x2000x128xf32>
    %get3A_8 = vector.shape_cast %get3A_7 : vector<1x2000x128xf32> to vector<2000x128xf32>
    %slice3A_9 = vector.extract_strided_slice %get3A_8 {offsets = [0, 0], sizes = [2000, 1], strides = [1, 1]} : vector<2000x128xf32> to vector<2000x1xf32>
    %add3A = arith.addf %slice3A, %slice3A_9 : vector<2000x1xf32>
    %get3A_10 = arith.constant 0 : index
    %get3A_11 = arith.constant 0 : index
    %get3A_12 = arith.constant 0 : index
    %get3A_13 = vector.load %arg2[%get3A_10, %get3A_11, %get3A_12] : memref<1x2000x128xf32, #tpu.memory_space<vmem>>, vector<1x2000x128xf32>
    %get3A_14 = vector.shape_cast %get3A_13 : vector<1x2000x128xf32> to vector<2000x128xf32>
    %get3A_15 = arith.constant 0 : index
    %get3A_16 = arith.constant 0 : index
    %get3A_17 = arith.constant 0 : index
    %get3A_18 = vector.load %arg3[%get3A_15, %get3A_16, %get3A_17] : memref<1x2000x128xf32, #tpu.memory_space<vmem>>, vector<1x2000x128xf32>
    %get3A_19 = vector.shape_cast %get3A_18 : vector<1x2000x128xf32> to vector<2000x128xf32>
    %add3A_20 = arith.addf %get3A_14, %get3A_19 : vector<2000x128xf32>
    %get3A_21 = arith.constant 0 : index
    %get3A_22 = arith.constant 0 : index
    %get3A_23 = vector.load %arg1[%get3A_21, %get3A_22] : memref<2000x128xf32, #tpu.memory_space<vmem>>, vector<2000x128xf32>
    %max3A = arith.constant 1.000000e+00 : f32
    %max3A_24 = vector.broadcast %max3A : f32 to vector<2000x1xf32>
    %max3A_25 = arith.maximumf %add3A, %max3A_24 : vector<2000x1xf32>
    %div3A = vector.broadcast %max3A_25 : vector<2000x1xf32> to vector<2000x128xf32>
    %div3A_26 = arith.divf %add3A_20, %div3A : vector<2000x128xf32>
    %sub3A = arith.subf %get3A_23, %div3A_26 : vector<2000x128xf32>
    %swap3A = arith.constant 0 : index
    %swap3A_27 = arith.constant 0 : index
    %swap3A_28 = vector.load %arg6[%swap3A, %swap3A_27] : memref<2000x128xf32, #tpu.memory_space<vmem>>, vector<2000x128xf32>
    tpu.vector_store %arg6[%swap3A, %swap3A_27], %sub3A {strides = array<i32>} : memref<2000x128xf32, #tpu.memory_space<vmem>>, vector<2000x128xf32>,
    return
  }
  func.func @transform_0(%arg0: i32) -> (i32, i32) {
    %c0_i32 = arith.constant 0 : i32
    %c0_i32_0 = arith.constant 0 : i32
    return %arg0, %c0_i32 : i32, i32
  }
  func.func @transform_1(%arg0: i32) -> (i32, i32, i32) {
    %c0_i32 = arith.constant 0 : i32
    %c0_i32_0 = arith.constant 0 : i32
    %c0_i32_1 = arith.constant 0 : i32
    return %c0_i32, %arg0, %c0_i32_0 : i32, i32, i32
  }
  func.func @transform_2(%arg0: i32) -> (i32, i32, i32) {
    %c1_i32 = arith.constant 1 : i32
    %c0_i32 = arith.constant 0 : i32
    %c0_i32_0 = arith.constant 0 : i32
    return %c1_i32, %arg0, %c0_i32 : i32, i32, i32
  }
  func.func @transform_3(%arg0: i32) -> (i32, i32, i32) {
    %c0_i32 = arith.constant 0 : i32
    %c0_i32_0 = arith.constant 0 : i32
    %c0_i32_1 = arith.constant 0 : i32
    return %c0_i32, %arg0, %c0_i32_0 : i32, i32, i32
  }
  func.func @transform_4(%arg0: i32) -> (i32, i32, i32) {
    %c1_i32 = arith.constant 1 : i32
    %c0_i32 = arith.constant 0 : i32
    %c0_i32_0 = arith.constant 0 : i32
    return %c1_i32, %arg0, %c0_i32 : i32, i32, i32
  }
  func.func @transform_5(%arg0: i32) -> (i32, i32) {
    %c0_i32 = arith.constant 0 : i32
    %c0_i32_0 = arith.constant 0 : i32
    return %arg0, %c0_i32 : i32, i32
  }
}

</mosaic_0001>

<sc_bundles>
// kernel: kernel.5.cloned.1.call-start
scs
__scs_entry_jumppad:
0x0: {  	(pc) =	sbr.rel $0x88, $3  }
0x1: {  	(tag) =	ssettag $0x0;
	lr =	simm.s32 $0x1  }
0x2: {  	[smem:$0x3F9F] =	sst lr;
	_ =	strace $0xD0000000  }
0x3: {  	_ = 	snop  }
0x4: {  	_ = 	snop  }
0x5: {  	_ = 	snop  }
0x6: {  	_ = 	snop  }
0x7: {  	_ = 	snop  }
__scs_overlays_trampoline_lowered:
0x8: {  	[smem:$0x3FAE] =	sst s0  }
0x9: {  	[smem:$0x3FAF] =	sst s1  }
0xa: {  	[smem:$0x3FB0] =	sst s2  }
0xb: {  	[smem:$0x3FB1] =	sst s3  }
0xc: {  	[smem:$0x3FB2] =	sst s4  }
0xd: {  	[smem:$0x3FB3] =	sst s5  }
0xe: {  	[smem:$0x3FB4] =	sst s6  }
0xf: {  	[smem:$0x3FB5] =	sst s7  }
0x10: {  	[smem:$0x3FB6] =	sst s8  }
0x11: {  	[smem:$0x3FB7] =	sst s9;
	s0 =	simm.s32 @!p0 $0x0  }
0x12: {  	s1 =	sld [smem:$0x3F9D];
	s0 =	simm.s32 @p0 $0x1  }
0x13: {  	[smem:$0x3FB8] =	sst s0;
	s0 =	simm.s32 @!p1 $0x0  }
0x14: {  	s2 =	sld [smem:$0x3F9C];
	s0 =	simm.s32 @p1 $0x1  }
0x15: {  	[smem:$0x3FB9] =	sst s0;
	s0 =	simm.s32 @!p2 $0x0  }
0x16: {  	s3 =	sld [smem:$0x3FDB];
	s0 =	simm.s32 @p2 $0x1  }
0x17: {  	s4 =	simm.s32 $0x1BF5;
	[smem:$0x3FBB] =	sst s0  }
0x18: {  	s0 =	sld [smem:$0x3F9E];
	_ =	swait.ge [sflag:s4], $0x0  }
0x19: {  	s7 =	sld [smem:$0x3F9F]  }
0x1a: {  	s8 =	sadd.s32 $0xFFFFE003, lr  }
0x1b: {  	s9 =	sadd.s32 $0xFFFFFEF7, lr;
	s5 =	simm.s32 $0xFFFFFFFF;
	p2 =	slt.u32 s8, $0xFFFFF086  }
0x1c: {  	p1 =	slt.u32 s9, $0xF7A;
	s5 =	simm.s32 @!p2 $0x0  }
0x1d: {  	s5 =	simm.s32 @p1 $0x1;
	p0 =	seq.s32 s7, s2  }
0x1e: {  	s7 =	smul.u32 @!p0 $0xF7A, s2;
	p2 =	seq.s32 @!p0 s5, $0x0  }
0x1f: {  	s9 =	smul.u32 $0xF7A, s1;
	s8 =	simm.s32 @!p0 $0x1BF5;
	p2 =	por !p2, p0  }
0x20: {  	[sflag:s8] =	ssyncset.s32 @!p0 $0xFFFFF086;
	s6 =	sadd.s32 @!p0 s3, s7;
	s7 =	simm.s32 @!p0 $0x108  }
0x21: {  	s3 =	sadd.s32 s3, s9;
	s6 =	sadd.s32 @!p0 $0x88, s6;
	s7 =	simm.s32 @p2 $0x1082  }
0x22: {  	[simem:s7], [sflag:s8] =	dma.local @!p0 [hbm:s6], $0xF7A  }
0x23: {  	s9 =	sor.u32 $0xD0000000, s2;
	s6 =	simm.s32 $0x108;
	_ =	swait.ge @!p0 [sflag:s8], $0x0  }
0x24: {  	s3 =	sadd.s32 $0x88, s3;
	s6 =	simm.s32 @!p1 $0x1082;
	[sflag:s4] =	ssyncset.s32 $0xFFFFF086  }
0x25: {  	[simem:s6], [sflag:s4] =	dma.local [hbm:s3], $0xF7A  }
0x26: {  	[smem:$0x3F9F] =	sst s1;
	(tag) =	ssettag s2;
	_ =	strace s9  }
0x27: {  	s1 =	sld [smem:$0x3FAF]  }
0x28: {  	s2 =	sld [smem:$0x3FB0]  }
0x29: {  	s4 =	sld [smem:$0x3FB2]  }
0x2a: {  	p0 =	seq.s32 s5, $0x0;
	s5 =	sld [smem:$0x3FB3]  }
0x2b: {  	s6 =	sld [smem:$0x3FB4]  }
0x2c: {  	s7 =	sld [smem:$0x3FB5]  }
0x2d: {  	s3 =	simm.s32 $0x108;
	s8 =	sld [smem:$0x3FB6]  }
0x2e: {  	s3 =	simm.s32 @!p0 $0x1082;
	s9 =	sld [smem:$0x3FB7]  }
0x2f: {  	lr =	sadd.s32 s0, s3;
	s0 =	sld [smem:$0x3FAE]  }
0x30: {  	s3 =	sld [smem:$0x3FB1]  }
0x31: {  	[smem:$0x3FBA] =	sst s10  }
0x32: {  	s10 =	sld [smem:$0x3FB8];
	_ =	sdelay $0x3  }
0x33: {  	p0 =	seq.s32 s10, $0x1;
	s10 =	sld [smem:$0x3FBA];
	_ =	sdelay $0x3  }
0x34: {  	[smem:$0x3FBA] =	sst s10  }
0x35: {  	s10 =	sld [smem:$0x3FB9];
	_ =	sdelay $0x3  }
0x36: {  	p1 =	seq.s32 s10, $0x1;
	s10 =	sld [smem:$0x3FBA];
	_ =	sdelay $0x3  }
0x37: {  	[smem:$0x3FBA] =	sst s10  }
0x38: {  	s10 =	sld [smem:$0x3FBB]  }
0x39: {  	_ = 	snop;
	(pc) =	sbr.ind lr, $3  }
0x3a: {  	_ = 	snop  }
0x3b: {  	_ = 	snop  }
0x3c: {  	p2 =	seq.s32 s10, $0x1;
	s10 =	sld [smem:$0x3FBA]  }
0x3d: {  	_ =	shalt  }
0x3e: {  	_ =	shalt  }
0x3f: {  	_ =	shalt  }
0x40: {  	_ =	shalt  }
0x41: {  	_ =	shalt  }
0x42: {  	_ =	shalt  }
0x43: {  	_ =	shalt  }
0x44: {  	_ =	shalt  }
0x45: {  	_ =	shalt  }
0x46: {  	_ =	shalt  }
0x47: {  	_ =	shalt  }
0x48: {  	_ =	shalt  }
0x49: {  	_ =	shalt  }
0x4a: {  	_ =	shalt  }
0x4b: {  	_ =	shalt  }
0x4c: {  	_ =	shalt  }
0x4d: {  	_ =	shalt  }
0x4e: {  	_ =	shalt  }
0x4f: {  	_ =	shalt  }
0x50: {  	_ =	shalt  }
0x51: {  	_ =	shalt  }
0x52: {  	_ =	shalt  }
0x53: {  	_ =	shalt  }
0x54: {  	_ =	shalt  }
0x55: {  	_ =	shalt  }
0x56: {  	_ =	shalt  }
0x57: {  	_ =	shalt  }
0x58: {  	_ =	shalt  }
0x59: {  	_ =	shalt  }
0x5a: {  	_ =	shalt  }
0x5b: {  	_ =	shalt  }
0x5c: {  	_ =	shalt  }
0x5d: {  	_ =	shalt  }
0x5e: {  	_ =	shalt  }
0x5f: {  	_ =	shalt  }
0x60: {  	_ =	shalt  }
0x61: {  	_ =	shalt  }
0x62: {  	_ =	shalt  }
0x63: {  	_ =	shalt  }
0x64: {  	_ =	shalt  }
0x65: {  	_ =	shalt  }
0x66: {  	_ =	shalt  }
0x67: {  	_ =	shalt  }
0x68: {  	_ =	shalt  }
0x69: {  	_ =	shalt  }
0x6a: {  	_ =	shalt  }
0x6b: {  	_ =	shalt  }
0x6c: {  	_ =	shalt  }
0x6d: {  	_ =	shalt  }
0x6e: {  	_ =	shalt  }
0x6f: {  	_ =	shalt  }
0x70: {  	_ =	shalt  }
0x71: {  	_ =	shalt  }
0x72: {  	_ =	shalt  }
0x73: {  	_ =	shalt  }
0x74: {  	_ =	shalt  }
0x75: {  	_ =	shalt  }
0x76: {  	_ =	shalt  }
0x77: {  	_ =	shalt  }
0x78: {  	_ =	shalt  }
0x79: {  	_ =	shalt  }
0x7a: {  	_ =	shalt  }
0x7b: {  	_ =	shalt  }
0x7c: {  	_ =	shalt  }
0x7d: {  	_ =	shalt  }
0x7e: {  	_ =	shalt  }
0x7f: {  	_ =	shalt  }
0x80: {  	_ =	shalt  }
0x81: {  	_ =	shalt  }
0x82: {  	_ =	shalt  }
0x83: {  	_ =	shalt  }
0x84: {  	_ =	shalt  }
0x85: {  	_ =	shalt  }
0x86: {  	_ =	shalt  }
0x87: {  	_ =	shalt  }
.Lfunc_end0:
.L_simem_size_0:
called_computation_lowered:
.L_overlay_start_0:
0x88: {  	s2 =	sld [smem:$0x3FD9]  }
0x89: {  	s3 =	sld [smem:$0x3FFE];
	_ =	sdelay $0x1  }
0x8a: {  	s1 =	srdreg.scid  }
0x8b: {  	s0 =	sand.u32 $0x1, s1  }
0x8c: {  	s17 =	sshll.u32 s0, $0xA;
	s2 =	sadd.s32 s3, s2  }
0x8d: {  	s2 =	sadd.s32 s2, s17  }
0x8e: {  	[smem:$0x3FC6] =	sst s2  }
0x8f: {  	_ = 	snop  }
0x90: {  	s2 =	sld [smem:$0x3FC9]  }
0x91: {  	s18 =	sld [smem:$0x3FD0];
	(tm) =	ssettm $0x1  }
0x92: {  	s4 =	sld [smem:$0x3FFB];
	_ =	sdelay $0x3  }
0x93: {  	_ =	strace s4  }
0x94: {  	s4 =	sld [smem:$0x3FFC];
	_ =	sdelay $0x3  }
0x95: {  	_ =	strace s4  }
0x96: {  	s4 =	sld [smem:$0x3FFD];
	_ =	sdelay $0x3  }
0x97: {  	_ =	strace s4  }
0x98: {  	_ =	strace $0x8FFFFFFF  }
0x99: {  	s19 =	sld [smem:$0x3FDB];
	_ =	sdelay $0x1  }
0x9a: {  	s5 =	simm.s32 $_scs_section_size  }
0x9b: {  	s6 =	simm.s32 $_size__tile_overlayer_lowered;
	s7 =	simm.s32 $_tile_overlayer_lowered  }
0x9c: {  	s22 =	simm.s32 $0x1BFF;
	s21 =	sshll.u32 s7, $0x1;
	s4 =	sadd.s32 s5, s19  }
0x9d: {  	s8 =	simm.s32 $0x0;
	s20 =	sshll.u32 s6, $0x1;
	s6 =	sadd.s32 s21, s4  }
0x9e: {  	[timem:s8], [sflag:s22] =	dma.local [hbm:s6], s20  }
0x9f: {  	_ =	swait.ge [sflag:s22], s20  }
0xa0: {  	s5 =	ssub.s32 $0x0, s20;
	[sflag:s22] =	ssyncset.done $0x0  }
0xa1: {  	[sflag:s22] =	ssyncadd.s32 s5;
	_ =	sdelay $0x1  }
0xa2: {  	s23 =	simm.s32 $0x1B8B  }
0xa3: {  	_ =	swait.ge [sflag:s23], $0x1  }
0xa4: {  	[sflag:s23] =	ssyncset.done $0x0  }
0xa5: {  	s25 =	simm.s32 $0x1B8E;
	s24 =	sld [smem:$0x3FFE];
	[sflag:s23] =	ssyncadd.s32 $0xFFFFFFFF  }
0xa6: {  	s26 =	simm.s32 $execute0_lowered;
	[smem:$0x3FD2] =	sst s25  }
0xa7: {  	s6 =	sshll.u32 s26, $0x1;
	_ =	strace $0x80000046;
	[dreg:$0x1] =	wrdreg $0xFFFFFFFF  }
0xa8: {  	s28 =	simm.s32 $_size_execute0_lowered;
	s4 =	sadd.s32 s4, s6;
	[dreg:$0x0] =	wrdreg $0x0  }
0xa9: {  	s6 =	sshll.u32 s28, $0x1;
	[dreg:$0x2] =	wrdreg s4  }
0xaa: {  	[dreg:$0x3] =	wrdreg s6  }
0xab: {  	[dreg:$0x4] =	wrdreg $0xC0  }
0xac: {  	_ =	task [dreg:s8], $0x5FFFF  }
0xad: {  	[dreg:$0x1] =	wrdreg $0xFFFFFFFF  }
0xae: {  	[dreg:$0x0] =	wrdreg $0x60  }
0xaf: {  	[dreg:$0x2] =	wrdreg s2  }
0xb0: {  	[dreg:$0x3] =	wrdreg s24  }
0xb1: {  	[dreg:$0x4] =	wrdreg s18  }
0xb2: {  	[dreg:$0x5] =	wrdreg $0x29800  }
0xb3: {  	[dreg:$0x6] =	wrdreg $0x9  }
0xb4: {  	_ =	task.clear_ibuf [dreg:s8], $0x7FFFF;
	_ =	strace $0x90000046  }
0xb5: {  	s29 =	simm.s32 $0x9;
	_ =	strace $0x80000048  }
0xb6: {  	_ =	swait.ge [sflag:s29], $0x1  }
0xb7: {  	[sflag:s29] =	ssyncadd.s32 $0xFFFFFFFF  }
0xb8: {  	_ =	strace $0x90000048  }
0xb9: {  	_ =	sfence  }
0xba: {  	s30 =	sld [smem:$0x0];
	_ =	sdelay $0x2  }
0xbb: {  	s31 =	sshll.u32 s1, $0xD;
	s1 =	sshrl.u32 s1, $0x2  }
0xbc: {  	s3 =	sand.u32 $0x4000, s31;
	s1 =	sadd.s32 s1, s30  }
0xbd: {  	s0 =	sor.u32 s3, s0;
	s1 =	sshll.u32 s1, $0x11  }
0xbe: {  	s0 =	sor.u32 s1, s0  }
0xbf: {  	s0 =	sadd.s32 $0x8F2B, s0  }
0xc0: {  	[sflag:s0] =	ssyncadd.remote.s32 $0x1  }
0xc1: {  	_ =	sfence.sel $0xFFFF  }
0xc2: {  	[dreg:$0x0] =	wrdreg $0xFFFFFFFF;
	(pc) =	sbr.abs _section_cstart, $3  }
0xc3: {  	[dreg:$0x1] =	wrdreg $0xFFFFFFFF  }
0xc4: {  	_ =	task.clear_ibuf [dreg:s8], $0x2FFFF;
	_ =	strace $0x9FFFFFFF  }
0xc5: {  	(tm) =	ssettm $0x7FFFFFFF  }
tec
execute0_lowered:
.L_overlay_start_1:
0x0: {  	(tag) =	ssettag $0x1  }
0x1: {  	s1 =	rddreg [dreg:$0x0]  }
0x2: {  	s7 =	rddreg [dreg:$0x1]  }
0x3: {  	s2 =	srdreg.scid;
	s15 =	rddreg [dreg:$0x2]  }
0x4: {  	s0 =	stileid.u32;
	s3 =	rddreg [dreg:$0x3];
	s4 =	simm.s32 $0x0  }
0x5: {  	s21 =	simm.s32 $0x100;
	s22 =	simm.s32 $0x50;
	s5 =	smul.u32 $0x4E20, s0  }
0x6: {  	s23 =	simm.s32 $0x80;
	s24 =	simm.s32 $0x1;
	s9 =	smul.u32 $0x14000, s0  }
0x7: {  	s6 =	sand.u32 $0x1, s2;
	s2 =	rddreg [dreg:$0x4];
	s10 =	smul.u32 $0x280, s0  }
0x8: {  	s25 =	simm.s32 $0x0;
	[smem:$0x7FF] =	sst s4;
	s8 =	smul.u32 $0x2710, s6  }
0x9: {  	s18 =	sadd.s32 $0xA800, s7;
	s30 =	smul.u32 $0x140000, s6;
	s6 =	ssub.s32 $0x2, s6  }
0xa: {  	s20 =	smul.u32 $0x50, s0;
	_ =	strace $0x80000047;
	s31 =	sshrl.u32 s6, $0x1  }
0xb: {  	s10 =	sshrl.u32 s10, $0x3;
	s5 =	sadd.s32 s8, s5;
	s8 =	sadd.s32 s9, s30  }
0xc: {  	s9 =	ssub.s32 s6, s31;
	s6 =	sadd.s32 s18, s10;
	s18 =	sadd.s32 s20, s18  }
0xd: {  	s20 =	simm.s32 $0x2;
	s16 =	sshrl.u32 s5, $0x3;
	s5 =	sadd.s32 $0xAE00, s7  }
0xe: {  	s8 =	sshrl.u32 s8, $0x3;
	s10 =	sadd.s32 $0x1E, s6;
	s11 =	sadd.s32 $0x28, s6  }
0xf: {  	s12 =	sadd.s32 $0x32, s6;
	s13 =	sadd.s32 $0x3C, s6;
	s14 =	sadd.s32 $0x46, s6  }
0x10: {  	s17 =	sadd.s32 s16, s7;
	s19 =	sadd.s32 s8, s7;
	s7 =	smax.u32 s9, $0x1  }
0x11: {  	s8 =	sadd.s32 $0xA, s6;
	s9 =	sadd.s32 $0x14, s6;
	s15 =	sadd.s32 s16, s15  }
0x12: {  	s16 =	sadd.s32 $0xA00, s17;
	s17 =	sadd.s32 $0xB400, s19;
	s19 =	simm.s32 $0x180  }
.LBB2_1:
0x13: {  	[tilespmem:s19], [sflag:$0x2] =	stream.linear.gather [hbm4b:s5+s4], $0x2800, $0x38;
	[tilespmem:$0x16980] =	vst v63  }
0x14: {  	_ =	swait.ge [sflag:s20], $0x2800  }
0x15: {  	[sflag:s20] =	ssyncset.done $0x0  }
0x16: {  	[sflag:s20] =	ssyncadd.s32 $0xFFFFD800  }
0x17: {  	[tilespmem:s21], [sflag:$0x2] =	stream.linear.gather [hbm4b:s6+s4], $0x50, $0x38;
	[tilespmem:$0x16980] =	vst v63  }
0x18: {  	_ =	swait.ge [sflag:s20], $0x50  }
0x19: {  	[sflag:s20] =	ssyncset.done $0x0  }
0x1a: {  	[sflag:s20] =	ssyncadd.s32 $0xFFFFFFB0  }
0x1b: {  	[spmem:s3] =	stream.indirect.scatter [tilespmem:s19], [sflag:$0x2], $0x80, s21, s22, $0xb8;
	[tilespmem:$0x16980] =	vst v63  }
0x1c: {  	_ =	swait.ge [sflag:s20], $0x2800  }
0x1d: {  	[sflag:s20] =	ssyncset.done $0x0  }
0x1e: {  	[sflag:s20] =	ssyncadd.s32 $0xFFFFD800  }
0x1f: {  	[tilespmem:s21], [sflag:$0x2] =	stream.linear.gather [hbm4b:s8+s4], $0x50, $0x38;
	[tilespmem:$0x16980] =	vst v63  }
0x20: {  	_ =	swait.ge [sflag:s20], $0x50  }
0x21: {  	[sflag:s20] =	ssyncset.done $0x0  }
0x22: {  	[sflag:s20] =	ssyncadd.s32 $0xFFFFFFB0  }
0x23: {  	[spmem:s3] =	stream.indirect.scatter [tilespmem:s19], [sflag:$0x2], $0x80, s21, s22, $0xb8;
	[tilespmem:$0x16980] =	vst v63  }
0x24: {  	_ =	swait.ge [sflag:s20], $0x2800  }
0x25: {  	[sflag:s20] =	ssyncset.done $0x0  }
0x26: {  	[sflag:s20] =	ssyncadd.s32 $0xFFFFD800  }
0x27: {  	[tilespmem:s21], [sflag:$0x2] =	stream.linear.gather [hbm4b:s9+s4], $0x50, $0x38;
	[tilespmem:$0x16980] =	vst v63  }
0x28: {  	_ =	swait.ge [sflag:s20], $0x50  }
0x29: {  	[sflag:s20] =	ssyncset.done $0x0  }
0x2a: {  	[sflag:s20] =	ssyncadd.s32 $0xFFFFFFB0  }
0x2b: {  	[spmem:s3] =	stream.indirect.scatter [tilespmem:s19], [sflag:$0x2], $0x80, s21, s22, $0xb8;
	[tilespmem:$0x16980] =	vst v63  }
0x2c: {  	_ =	swait.ge [sflag:s20], $0x2800  }
0x2d: {  	[sflag:s20] =	ssyncset.done $0x0  }
0x2e: {  	[sflag:s20] =	ssyncadd.s32 $0xFFFFD800  }
0x2f: {  	[tilespmem:s21], [sflag:$0x2] =	stream.linear.gather [hbm4b:s10+s4], $0x50, $0x38;
	[tilespmem:$0x16980] =	vst v63  }
0x30: {  	_ =	swait.ge [sflag:s20], $0x50  }
0x31: {  	[sflag:s20] =	ssyncset.done $0x0  }
0x32: {  	[sflag:s20] =	ssyncadd.s32 $0xFFFFFFB0  }
0x33: {  	[spmem:s3] =	stream.indirect.scatter [tilespmem:s19], [sflag:$0x2], $0x80, s21, s22, $0xb8;
	[tilespmem:$0x16980] =	vst v63  }
0x34: {  	_ =	swait.ge [sflag:s20], $0x2800  }
0x35: {  	[sflag:s20] =	ssyncset.done $0x0  }
0x36: {  	[sflag:s20] =	ssyncadd.s32 $0xFFFFD800  }
0x37: {  	[tilespmem:s21], [sflag:$0x2] =	stream.linear.gather [hbm4b:s11+s4], $0x50, $0x38;
	[tilespmem:$0x16980] =	vst v63  }
0x38: {  	_ =	swait.ge [sflag:s20], $0x50  }
0x39: {  	[sflag:s20] =	ssyncset.done $0x0  }
0x3a: {  	[sflag:s20] =	ssyncadd.s32 $0xFFFFFFB0  }
0x3b: {  	[spmem:s3] =	stream.indirect.scatter [tilespmem:s19], [sflag:$0x2], $0x80, s21, s22, $0xb8;
	[tilespmem:$0x16980] =	vst v63  }
0x3c: {  	_ =	swait.ge [sflag:s20], $0x2800  }
0x3d: {  	[sflag:s20] =	ssyncset.done $0x0  }
0x3e: {  	[sflag:s20] =	ssyncadd.s32 $0xFFFFD800  }
0x3f: {  	[tilespmem:s21], [sflag:$0x2] =	stream.linear.gather [hbm4b:s12+s4], $0x50, $0x38;
	[tilespmem:$0x16980] =	vst v63  }
0x40: {  	_ =	swait.ge [sflag:s20], $0x50  }
0x41: {  	[sflag:s20] =	ssyncset.done $0x0  }
0x42: {  	[sflag:s20] =	ssyncadd.s32 $0xFFFFFFB0  }
0x43: {  	[spmem:s3] =	stream.indirect.scatter [tilespmem:s19], [sflag:$0x2], $0x80, s21, s22, $0xb8;
	[tilespmem:$0x16980] =	vst v63  }
0x44: {  	_ =	swait.ge [sflag:s20], $0x2800  }
0x45: {  	[sflag:s20] =	ssyncset.done $0x0  }
0x46: {  	[sflag:s20] =	ssyncadd.s32 $0xFFFFD800  }
0x47: {  	[tilespmem:s21], [sflag:$0x2] =	stream.linear.gather [hbm4b:s13+s4], $0x50, $0x38;
	[tilespmem:$0x16980] =	vst v63  }
0x48: {  	_ =	swait.ge [sflag:s20], $0x50  }
0x49: {  	[sflag:s20] =	ssyncset.done $0x0  }
0x4a: {  	[sflag:s20] =	ssyncadd.s32 $0xFFFFFFB0  }
0x4b: {  	[spmem:s3] =	stream.indirect.scatter [tilespmem:s19], [sflag:$0x2], $0x80, s21, s22, $0xb8;
	[tilespmem:$0x16980] =	vst v63  }
0x4c: {  	_ =	swait.ge [sflag:s20], $0x2800  }
0x4d: {  	[sflag:s20] =	ssyncset.done $0x0  }
0x4e: {  	[sflag:s20] =	ssyncadd.s32 $0xFFFFD800  }
0x4f: {  	[tilespmem:s21], [sflag:$0x2] =	stream.linear.gather [hbm4b:s14+s4], $0x50, $0x38;
	[tilespmem:$0x16980] =	vst v63  }
0x50: {  	_ =	swait.ge [sflag:s20], $0x50  }
0x51: {  	[sflag:s20] =	ssyncset.done $0x0  }
0x52: {  	[sflag:s20] =	ssyncadd.s32 $0xFFFFFFB0  }
0x53: {  	[spmem:s3] =	stream.indirect.scatter [tilespmem:s19], [sflag:$0x2], $0x80, s21, s22, $0xb8;
	[tilespmem:$0x16980] =	vst v63  }
0x54: {  	_ =	swait.ge [sflag:s20], $0x2800  }
0x55: {  	[sflag:s20] =	ssyncset.done $0x0  }
0x56: {  	[sflag:s20] =	ssyncadd.s32 $0xFFFFD800  }
0x57: {  	s26 =	sadd.s32 $0x0, s16;
	[bflag:$0x0] =	sbarrier.arrive $0xFFFF  }
0x58: {  	[tilespmem:s4], [sflag:$0x2] =	stream.linear.gather [hbm4b:s26+s4], $0x50, $0x38;
	[tilespmem:$0x16980] =	vst v63  }
0x59: {  	_ =	swait.ge [sflag:s20], $0x50  }
0x5a: {  	[sflag:s20] =	ssyncset.done $0x0  }
0x5b: {  	s31 =	sadd.s32 $0x0, s15;
	[sflag:s20] =	ssyncadd.s32 $0xFFFFFFB0  }
0x5c: {  	[tilespmem:s23], [sflag:$0x2] =	stream.linear.gather [hbm4b:s31+s4], $0x50, $0x38;
	[tilespmem:$0x16980] =	vst v63  }
0x5d: {  	_ =	swait.ge [sflag:s20], $0x50  }
0x5e: {  	[sflag:s20] =	ssyncset.done $0x0  }
0x5f: {  	[sflag:s20] =	ssyncadd.s32 $0xFFFFFFB0  }
0x60: {  	[tilespmem:s19], [sflag:$0x1] =	stream.indirect.gather [hbm4b:s1+s22], $0x80, s4, s22, $0xb8;
	[tilespmem:$0x16980] =	vst v63  }
0x61: {  	_ =	swait.ge [sflag:s24], $0x2800  }
0x62: {  	[sflag:s24] =	ssyncset.done $0x0  }
0x63: {  	[sflag:s24] =	ssyncadd.s32 $0xFFFFD800  }
0x64: {  	[spmem:s3] =	stream.indirect.scatter.add.f32 [tilespmem:s19], [sflag:$0x2], $0x80, s23, s22, $0xb8;
	[tilespmem:$0x16980] =	vst v63  }
0x65: {  	_ =	swait.ge [sflag:s20], $0x2800  }
0x66: {  	s28 =	simm.s32 $0x14;
	s26 =	simm.s32 $0xA;
	[sflag:s20] =	ssyncset.done $0x0  }
.LBB2_2:
0x67: {  	s29 =	sadd.s32 s26, s16  }
0x68: {  	[sflag:s20] =	ssyncadd.s32 $0xFFFFD800;
	s30 =	smov.u32 s28;
	s31 =	sadd.s32 $0xA, s28  }
0x69: {  	[tilespmem:s4], [sflag:$0x2] =	stream.linear.gather [hbm4b:s29+s4], $0x50, $0x38;
	[tilespmem:$0x16980] =	vst v63  }
0x6a: {  	p0 =	sne.s32 s28, $0x4D8;
	_ =	swait.ge [sflag:s20], $0x50  }
0x6b: {  	[sflag:s20] =	ssyncset.done $0x0  }
0x6c: {  	s28 =	sadd.s32 s26, s15;
	s26 =	smov.u32 s30;
	[sflag:s20] =	ssyncadd.s32 $0xFFFFFFB0  }
0x6d: {  	[tilespmem:s23], [sflag:$0x2] =	stream.linear.gather [hbm4b:s28+s4], $0x50, $0x38;
	[tilespmem:$0x16980] =	vst v63  }
0x6e: {  	_ =	swait.ge [sflag:s20], $0x50  }
0x6f: {  	[sflag:s20] =	ssyncset.done $0x0  }
0x70: {  	[sflag:s20] =	ssyncadd.s32 $0xFFFFFFB0  }
0x71: {  	[tilespmem:s19], [sflag:$0x1] =	stream.indirect.gather [hbm4b:s1+s22], $0x80, s4, s22, $0xb8;
	[tilespmem:$0x16980] =	vst v63  }
0x72: {  	_ =	swait.ge [sflag:s24], $0x2800  }
.Ltmp0:
0x73: {  	[sflag:s24] =	ssyncset.done $0x0;
	(pc) =	sbr.rel @p0 .LBB2_2-.Ltmp0, $4  }
0x74: {  	[sflag:s24] =	ssyncadd.s32 $0xFFFFD800  }
0x75: {  	[spmem:s3] =	stream.indirect.scatter.add.f32 [tilespmem:s19], [sflag:$0x2], $0x80, s23, s22, $0xb8;
	[tilespmem:$0x16980] =	vst v63  }
0x76: {  	_ =	swait.ge [sflag:s20], $0x2800  }
0x77: {  	s28 =	smov.u32 s31;
	[sflag:s20] =	ssyncset.done $0x0  }
0x78: {  	s28 =	sadd.s32 s26, s16;
	[sflag:s20] =	ssyncadd.s32 $0xFFFFD800  }
0x79: {  	[tilespmem:s4], [sflag:$0x2] =	stream.linear.gather [hbm4b:s28+s4], $0x50, $0x38;
	[tilespmem:$0x16980] =	vst v63  }
0x7a: {  	_ =	swait.ge [sflag:s20], $0x50  }
0x7b: {  	[sflag:s20] =	ssyncset.done $0x0  }
0x7c: {  	s30 =	sadd.s32 s26, s15;
	[sflag:s20] =	ssyncadd.s32 $0xFFFFFFB0  }
0x7d: {  	[tilespmem:s23], [sflag:$0x2] =	stream.linear.gather [hbm4b:s30+s4], $0x50, $0x38;
	[tilespmem:$0x16980] =	vst v63  }
0x7e: {  	_ =	swait.ge [sflag:s20], $0x50  }
0x7f: {  	[sflag:s20] =	ssyncset.done $0x0  }
0x80: {  	[sflag:s20] =	ssyncadd.s32 $0xFFFFFFB0  }
0x81: {  	[tilespmem:s19], [sflag:$0x1] =	stream.indirect.gather [hbm4b:s1+s22], $0x80, s4, s22, $0xb8;
	[tilespmem:$0x16980] =	vst v63  }
0x82: {  	_ =	swait.ge [sflag:s24], $0x2800  }
0x83: {  	[sflag:s24] =	ssyncset.done $0x0  }
0x84: {  	[sflag:s24] =	ssyncadd.s32 $0xFFFFD800  }
0x85: {  	[spmem:s3] =	stream.indirect.scatter.add.f32 [tilespmem:s19], [sflag:$0x2], $0x80, s23, s22, $0xb8;
	[tilespmem:$0x16980] =	vst v63  }
0x86: {  	_ =	swait.ge [sflag:s20], $0x2800  }
0x87: {  	[sflag:s20] =	ssyncset.done $0x0  }
0x88: {  	[sflag:s20] =	ssyncadd.s32 $0xFFFFD800  }
0x89: {  	s31 =	sadd.s32 $0x0, s18;
	[bflag:$0x0] =	sbarrier.arrive $0xFFFF  }
0x8a: {  	[tilespmem:s21], [sflag:$0x2] =	stream.linear.gather [hbm4b:s31+s4], $0x50, $0x38;
	[tilespmem:$0x16980] =	vst v63  }
0x8b: {  	_ =	swait.ge [sflag:s20], $0x50  }
0x8c: {  	[sflag:s20] =	ssyncset.done $0x0  }
0x8d: {  	[sflag:s20] =	ssyncadd.s32 $0xFFFFFFB0  }
0x8e: {  	[tilespmem:s19], [sflag:$0x1] =	stream.indirect.gather [spmem:s3], $0x80, s21, s22, $0xb8;
	[tilespmem:$0x16980] =	vst v63  }
0x8f: {  	_ =	swait.ge [sflag:s24], $0x2800  }
0x90: {  	[sflag:s24] =	ssyncset.done $0x0  }
0x91: {  	[sflag:s24] =	ssyncadd.s32 $0xFFFFD800  }
0x92: {  	[hbm4b:s17+s4] =	stream.linear.scatter [tilespmem:s19], [sflag:$0x2], $0x2800, $0x38;
	[tilespmem:$0x16980] =	vst v63  }
0x93: {  	s29 =	simm.s32 $0x14;
	_ =	swait.ge [sflag:s20], $0x2800  }
0x94: {  	s26 =	sadd.s32 $0x500, s17;
	s28 =	simm.s32 $0xA;
	[sflag:s20] =	ssyncset.done $0x0  }
.LBB2_4:
0x95: {  	s30 =	sadd.s32 s28, s18  }
0x96: {  	[sflag:s20] =	ssyncadd.s32 $0xFFFFD800;
	s28 =	smov.u32 s29;
	s31 =	sadd.s32 $0xA, s29  }
0x97: {  	[tilespmem:s21], [sflag:$0x2] =	stream.linear.gather [hbm4b:s30+s4], $0x50, $0x38;
	[tilespmem:$0x16980] =	vst v63  }
0x98: {  	p0 =	sne.s32 s29, $0x46;
	_ =	swait.ge [sflag:s20], $0x50  }
0x99: {  	[sflag:s20] =	ssyncset.done $0x0  }
0x9a: {  	[sflag:s20] =	ssyncadd.s32 $0xFFFFFFB0  }
0x9b: {  	[tilespmem:s19], [sflag:$0x1] =	stream.indirect.gather [spmem:s3], $0x80, s21, s22, $0xb8;
	[tilespmem:$0x16980] =	vst v63  }
0x9c: {  	_ =	swait.ge [sflag:s24], $0x2800  }
.Ltmp1:
0x9d: {  	[sflag:s24] =	ssyncset.done $0x0;
	(pc) =	sbr.rel @p0 .LBB2_4-.Ltmp1, $4  }
0x9e: {  	[sflag:s24] =	ssyncadd.s32 $0xFFFFD800  }
0x9f: {  	[hbm4b:s26+s4] =	stream.linear.scatter [tilespmem:s19], [sflag:$0x2], $0x2800, $0x38;
	[tilespmem:$0x16980] =	vst v63  }
0xa0: {  	_ =	swait.ge [sflag:s20], $0x2800  }
0xa1: {  	s29 =	smov.u32 s31;
	s26 =	sadd.s32 $0x500, s26;
	[sflag:s20] =	ssyncset.done $0x0  }
0xa2: {  	s28 =	sadd.s32 s28, s18;
	[sflag:s20] =	ssyncadd.s32 $0xFFFFD800  }
0xa3: {  	[tilespmem:s21], [sflag:$0x2] =	stream.linear.gather [hbm4b:s28+s4], $0x50, $0x38;
	[tilespmem:$0x16980] =	vst v63  }
0xa4: {  	_ =	swait.ge [sflag:s20], $0x50  }
0xa5: {  	[sflag:s20] =	ssyncset.done $0x0  }
0xa6: {  	[sflag:s20] =	ssyncadd.s32 $0xFFFFFFB0  }
0xa7: {  	[tilespmem:s19], [sflag:$0x1] =	stream.indirect.gather [spmem:s3], $0x80, s21, s22, $0xb8;
	[tilespmem:$0x16980] =	vst v63  }
0xa8: {  	s25 =	sadd.s32 $0x1, s25;
	_ =	swait.ge [sflag:s24], $0x2800  }
0xa9: {  	p0 =	sne.s32 s25, s7;
	[sflag:s24] =	ssyncset.done $0x0  }
.Ltmp2:
0xaa: {  	[sflag:s24] =	ssyncadd.s32 $0xFFFFD800;
	(pc) =	sbr.rel @p0 .LBB2_1-.Ltmp2, $4  }
0xab: {  	[hbm4b:s26+s4] =	stream.linear.scatter [tilespmem:s19], [sflag:$0x2], $0x2800, $0x38;
	[tilespmem:$0x16980] =	vst v63  }
0xac: {  	_ =	swait.ge [sflag:s20], $0x2800  }
0xad: {  	[sflag:s20] =	ssyncset.done $0x0  }
0xae: {  	[sflag:s20] =	ssyncadd.s32 $0xFFFFD800  }
0xaf: {  	_ =	sfence.sel $0x180000  }
0xb0: {  	[bflag:$0x0] =	sbarrier.arrive $0xFFFF  }
0xb1: {  	p0 =	sne.s32 s0, $0x0;
	_ =	strace $0x90000047  }
0xb2: {  	s0 =	sadd.s32 @!p0 $0x100000, s2;
	[bflag:$0x2] =	sbarrier.arrive $0xFFFF  }
0xb3: {  	[sflag:s0] =	ssyncadd.tile.s32 @!p0 $0x1;
	_ =	shalt  }
.Lfunc_end2:
_tile_overlayer_lowered:
.L_overlay_start_2:
0xb4: {  	(tag) =	ssettag $0x2  }
0xb5: {  	s0 =	rddreg [dreg:$0x0];
	s2 =	stileid.u32  }
0xb6: {  	s1 =	rddreg [dreg:$0x1];
	p0 =	sne.s32 s2, $0x0  }
0xb7: {  	s3 =	rddreg [dreg:$0x2];
	[bflag:$0x3] =	sbarrier.arrive $0xFFFF;
	s2 =	simm.s32 @!p0 $0x1C02  }
0xb8: {  	[timem:s3], [sflag:s2] =	dma.local @!p0 [hbm:s0], s1  }
0xb9: {  	s0 =	simm.s32 @!p0 $0x2  }
0xba: {  	_ =	swait.ge @!p0 [sflag:s0], s1  }
0xbb: {  	s1 =	ssub.s32 @!p0 $0x0, s1;
	[sflag:s0] =	ssyncset.done @!p0 $0x0  }
0xbc: {  	[sflag:s0] =	ssyncadd.s32 @!p0 s1  }
0xbd: {  	[bflag:$0x3] =	sbarrier.arrive $0xFFFF  }
0xbe: {  	_ =	shalt  }

// kernel: kernel.8.cloned.1.call-start
scs
__scs_entry_jumppad:
0x0: {  	(pc) =	sbr.rel $0x88, $3  }
0x1: {  	(tag) =	ssettag $0x0;
	lr =	simm.s32 $0x1  }
0x2: {  	[smem:$0x3F9F] =	sst lr;
	_ =	strace $0xD0000000  }
0x3: {  	_ = 	snop  }
0x4: {  	_ = 	snop  }
0x5: {  	_ = 	snop  }
0x6: {  	_ = 	snop  }
0x7: {  	_ = 	snop  }
__scs_overlays_trampoline_lowered:
0x8: {  	[smem:$0x3FAE] =	sst s0  }
0x9: {  	[smem:$0x3FAF] =	sst s1  }
0xa: {  	[smem:$0x3FB0] =	sst s2  }
0xb: {  	[smem:$0x3FB1] =	sst s3  }
0xc: {  	[smem:$0x3FB2] =	sst s4  }
0xd: {  	[smem:$0x3FB3] =	sst s5  }
0xe: {  	[smem:$0x3FB4] =	sst s6  }
0xf: {  	[smem:$0x3FB5] =	sst s7  }
0x10: {  	[smem:$0x3FB6] =	sst s8  }
0x11: {  	[smem:$0x3FB7] =	sst s9;
	s0 =	simm.s32 @!p0 $0x0  }
0x12: {  	s1 =	sld [smem:$0x3F9D];
	s0 =	simm.s32 @p0 $0x1  }
0x13: {  	[smem:$0x3FB8] =	sst s0;
	s0 =	simm.s32 @!p1 $0x0  }
0x14: {  	s2 =	sld [smem:$0x3F9C];
	s0 =	simm.s32 @p1 $0x1  }
0x15: {  	[smem:$0x3FB9] =	sst s0;
	s0 =	simm.s32 @!p2 $0x0  }
0x16: {  	s3 =	sld [smem:$0x3FDB];
	s0 =	simm.s32 @p2 $0x1  }
0x17: {  	s4 =	simm.s32 $0x1BF5;
	[smem:$0x3FBB] =	sst s0  }
0x18: {  	s0 =	sld [smem:$0x3F9E];
	_ =	swait.ge [sflag:s4], $0x0  }
0x19: {  	s7 =	sld [smem:$0x3F9F]  }
0x1a: {  	s8 =	sadd.s32 $0xFFFFE003, lr  }
0x1b: {  	s9 =	sadd.s32 $0xFFFFFEF7, lr;
	s5 =	simm.s32 $0xFFFFFFFF;
	p2 =	slt.u32 s8, $0xFFFFF086  }
0x1c: {  	p1 =	slt.u32 s9, $0xF7A;
	s5 =	simm.s32 @!p2 $0x0  }
0x1d: {  	s5 =	simm.s32 @p1 $0x1;
	p0 =	seq.s32 s7, s2  }
0x1e: {  	s7 =	smul.u32 @!p0 $0xF7A, s2;
	p2 =	seq.s32 @!p0 s5, $0x0  }
0x1f: {  	s9 =	smul.u32 $0xF7A, s1;
	s8 =	simm.s32 @!p0 $0x1BF5;
	p2 =	por !p2, p0  }
0x20: {  	[sflag:s8] =	ssyncset.s32 @!p0 $0xFFFFF086;
	s6 =	sadd.s32 @!p0 s3, s7;
	s7 =	simm.s32 @!p0 $0x108  }
0x21: {  	s3 =	sadd.s32 s3, s9;
	s6 =	sadd.s32 @!p0 $0x88, s6;
	s7 =	simm.s32 @p2 $0x1082  }
0x22: {  	[simem:s7], [sflag:s8] =	dma.local @!p0 [hbm:s6], $0xF7A  }
0x23: {  	s9 =	sor.u32 $0xD0000000, s2;
	s6 =	simm.s32 $0x108;
	_ =	swait.ge @!p0 [sflag:s8], $0x0  }
0x24: {  	s3 =	sadd.s32 $0x88, s3;
	s6 =	simm.s32 @!p1 $0x1082;
	[sflag:s4] =	ssyncset.s32 $0xFFFFF086  }
0x25: {  	[simem:s6], [sflag:s4] =	dma.local [hbm:s3], $0xF7A  }
0x26: {  	[smem:$0x3F9F] =	sst s1;
	(tag) =	ssettag s2;
	_ =	strace s9  }
0x27: {  	s1 =	sld [smem:$0x3FAF]  }
0x28: {  	s2 =	sld [smem:$0x3FB0]  }
0x29: {  	s4 =	sld [smem:$0x3FB2]  }
0x2a: {  	p0 =	seq.s32 s5, $0x0;
	s5 =	sld [smem:$0x3FB3]  }
0x2b: {  	s6 =	sld [smem:$0x3FB4]  }
0x2c: {  	s7 =	sld [smem:$0x3FB5]  }
0x2d: {  	s3 =	simm.s32 $0x108;
	s8 =	sld [smem:$0x3FB6]  }
0x2e: {  	s3 =	simm.s32 @!p0 $0x1082;
	s9 =	sld [smem:$0x3FB7]  }
0x2f: {  	lr =	sadd.s32 s0, s3;
	s0 =	sld [smem:$0x3FAE]  }
0x30: {  	s3 =	sld [smem:$0x3FB1]  }
0x31: {  	[smem:$0x3FBA] =	sst s10  }
0x32: {  	s10 =	sld [smem:$0x3FB8];
	_ =	sdelay $0x3  }
0x33: {  	p0 =	seq.s32 s10, $0x1;
	s10 =	sld [smem:$0x3FBA];
	_ =	sdelay $0x3  }
0x34: {  	[smem:$0x3FBA] =	sst s10  }
0x35: {  	s10 =	sld [smem:$0x3FB9];
	_ =	sdelay $0x3  }
0x36: {  	p1 =	seq.s32 s10, $0x1;
	s10 =	sld [smem:$0x3FBA];
	_ =	sdelay $0x3  }
0x37: {  	[smem:$0x3FBA] =	sst s10  }
0x38: {  	s10 =	sld [smem:$0x3FBB]  }
0x39: {  	_ = 	snop;
	(pc) =	sbr.ind lr, $3  }
0x3a: {  	_ = 	snop  }
0x3b: {  	_ = 	snop  }
0x3c: {  	p2 =	seq.s32 s10, $0x1;
	s10 =	sld [smem:$0x3FBA]  }
0x3d: {  	_ =	shalt  }
0x3e: {  	_ =	shalt  }
0x3f: {  	_ =	shalt  }
0x40: {  	_ =	shalt  }
0x41: {  	_ =	shalt  }
0x42: {  	_ =	shalt  }
0x43: {  	_ =	shalt  }
0x44: {  	_ =	shalt  }
0x45: {  	_ =	shalt  }
0x46: {  	_ =	shalt  }
0x47: {  	_ =	shalt  }
0x48: {  	_ =	shalt  }
0x49: {  	_ =	shalt  }
0x4a: {  	_ =	shalt  }
0x4b: {  	_ =	shalt  }
0x4c: {  	_ =	shalt  }
0x4d: {  	_ =	shalt  }
0x4e: {  	_ =	shalt  }
0x4f: {  	_ =	shalt  }
0x50: {  	_ =	shalt  }
0x51: {  	_ =	shalt  }
0x52: {  	_ =	shalt  }
0x53: {  	_ =	shalt  }
0x54: {  	_ =	shalt  }
0x55: {  	_ =	shalt  }
0x56: {  	_ =	shalt  }
0x57: {  	_ =	shalt  }
0x58: {  	_ =	shalt  }
0x59: {  	_ =	shalt  }
0x5a: {  	_ =	shalt  }
0x5b: {  	_ =	shalt  }
0x5c: {  	_ =	shalt  }
0x5d: {  	_ =	shalt  }
0x5e: {  	_ =	shalt  }
0x5f: {  	_ =	shalt  }
0x60: {  	_ =	shalt  }
0x61: {  	_ =	shalt  }
0x62: {  	_ =	shalt  }
0x63: {  	_ =	shalt  }
0x64: {  	_ =	shalt  }
0x65: {  	_ =	shalt  }
0x66: {  	_ =	shalt  }
0x67: {  	_ =	shalt  }
0x68: {  	_ =	shalt  }
0x69: {  	_ =	shalt  }
0x6a: {  	_ =	shalt  }
0x6b: {  	_ =	shalt  }
0x6c: {  	_ =	shalt  }
0x6d: {  	_ =	shalt  }
0x6e: {  	_ =	shalt  }
0x6f: {  	_ =	shalt  }
0x70: {  	_ =	shalt  }
0x71: {  	_ =	shalt  }
0x72: {  	_ =	shalt  }
0x73: {  	_ =	shalt  }
0x74: {  	_ =	shalt  }
0x75: {  	_ =	shalt  }
0x76: {  	_ =	shalt  }
0x77: {  	_ =	shalt  }
0x78: {  	_ =	shalt  }
0x79: {  	_ =	shalt  }
0x7a: {  	_ =	shalt  }
0x7b: {  	_ =	shalt  }
0x7c: {  	_ =	shalt  }
0x7d: {  	_ =	shalt  }
0x7e: {  	_ =	shalt  }
0x7f: {  	_ =	shalt  }
0x80: {  	_ =	shalt  }
0x81: {  	_ =	shalt  }
0x82: {  	_ =	shalt  }
0x83: {  	_ =	shalt  }
0x84: {  	_ =	shalt  }
0x85: {  	_ =	shalt  }
0x86: {  	_ =	shalt  }
0x87: {  	_ =	shalt  }
.Lfunc_end0:
.L_simem_size_0:
called_computation.1_lowered:
.L_overlay_start_0:
0x88: {  	s2 =	sld [smem:$0x3FD9]  }
0x89: {  	s3 =	sld [smem:$0x3FFE];
	_ =	sdelay $0x1  }
0x8a: {  	s1 =	srdreg.scid  }
0x8b: {  	s0 =	sand.u32 $0x1, s1  }
0x8c: {  	s17 =	sshll.u32 s0, $0xA;
	s2 =	sadd.s32 s3, s2  }
0x8d: {  	s2 =	sadd.s32 s2, s17  }
0x8e: {  	[smem:$0x3FC6] =	sst s2  }
0x8f: {  	_ = 	snop  }
0x90: {  	s18 =	sld [smem:$0x3FD0];
	(tm) =	ssettm $0x1  }
0x91: {  	s19 =	sld [smem:$0x3FFB];
	_ =	sdelay $0x3  }
0x92: {  	_ =	strace s19  }
0x93: {  	s2 =	sld [smem:$0x3FFC];
	_ =	sdelay $0x3  }
0x94: {  	_ =	strace s2  }
0x95: {  	s2 =	sld [smem:$0x3FFD];
	_ =	sdelay $0x3  }
0x96: {  	_ =	strace s2  }
0x97: {  	_ =	strace $0x8FFFFFFF  }
0x98: {  	s20 =	sld [smem:$0x3FDB];
	_ =	sdelay $0x1  }
0x99: {  	s4 =	simm.s32 $_scs_section_size  }
0x9a: {  	s5 =	simm.s32 $_size__tile_overlayer_lowered;
	s6 =	simm.s32 $_tile_overlayer_lowered  }
0x9b: {  	s7 =	simm.s32 $0x1BFF;
	s21 =	sshll.u32 s6, $0x1;
	s4 =	sadd.s32 s4, s20  }
0x9c: {  	s22 =	simm.s32 $0x0;
	s5 =	sshll.u32 s5, $0x1;
	s6 =	sadd.s32 s21, s4  }
0x9d: {  	[timem:s22], [sflag:s7] =	dma.local [hbm:s6], s5  }
0x9e: {  	_ =	swait.ge [sflag:s7], s5  }
0x9f: {  	s5 =	ssub.s32 $0x0, s5;
	[sflag:s7] =	ssyncset.done $0x0  }
0xa0: {  	[sflag:s7] =	ssyncadd.s32 s5;
	_ =	sdelay $0x1  }
0xa1: {  	s23 =	simm.s32 $0x1B8B  }
0xa2: {  	_ =	swait.ge [sflag:s23], $0x1  }
0xa3: {  	[sflag:s23] =	ssyncset.done $0x0  }
0xa4: {  	[sflag:s23] =	ssyncadd.s32 $0xFFFFFFFF  }
0xa5: {  	s5 =	sld [smem:$0x0]  }
0xa6: {  	s6 =	sand.u32 $0xFFFFFFFE, s1  }
0xa7: {  	p0 =	sne.s32 s1, s6  }
0xa8: {  	s6 =	sshll.u32 @p0 s6, $0xE  }
0xa9: {  	s6 =	sadd.s32 @p0 $0x11B8D, s6;
	s7 =	sshll.u32 @p0 s5, $0x11  }
0xaa: {  	s6 =	sor.u32 @p0 s7, s6  }
0xab: {  	[sflag:s6] =	ssyncadd.remote.s32 @p0 $0x1;
	_ =	sdelay $0x1  }
0xac: {  	s6 =	simm.s32 @p0 $0x1B8D  }
0xad: {  	_ =	swait.eq @p0 [sflag:s6], $0x1  }
0xae: {  	[sflag:s6] =	ssyncadd.s32 @p0 $0xFFFFFFFF  }
0xaf: {  	s7 =	sshll.u32 @!p0 s1, $0xE  }
0xb0: {  	s7 =	sor.u32 @!p0 $0x4000, s7;
	s6 =	simm.s32 @!p0 $0x1B8D  }
0xb1: {  	s5 =	sshll.u32 @!p0 s5, $0x11;
	s7 =	sadd.s32 @!p0 $0x11B8D, s7;
	_ =	swait.eq @!p0 [sflag:s6], $0x1  }
0xb2: {  	s5 =	sor.u32 @!p0 s5, s7;
	[sflag:s6] =	ssyncadd.s32 @!p0 $0xFFFFFFFF  }
0xb3: {  	s25 =	simm.s32 $0x1B8E;
	s24 =	sld [smem:$0x3FFE];
	[sflag:s5] =	ssyncadd.remote.s32 @!p0 $0x1  }
0xb4: {  	s26 =	simm.s32 $execute0_lowered;
	[smem:$0x3FD2] =	sst s25  }
0xb5: {  	s6 =	sshll.u32 s26, $0x1;
	_ =	strace $0x80000049;
	[dreg:$0x1] =	wrdreg $0xFFFFFFFF  }
0xb6: {  	s28 =	simm.s32 $_size_execute0_lowered;
	s4 =	sadd.s32 s4, s6;
	[dreg:$0x0] =	wrdreg $0x0  }
0xb7: {  	s6 =	sshll.u32 s28, $0x1;
	[dreg:$0x2] =	wrdreg s4  }
0xb8: {  	[dreg:$0x3] =	wrdreg s6  }
0xb9: {  	[dreg:$0x4] =	wrdreg $0xC0  }
0xba: {  	_ =	task [dreg:s22], $0x5FFFF  }
0xbb: {  	[dreg:$0x1] =	wrdreg $0xFFFFFFFF  }
0xbc: {  	[dreg:$0x0] =	wrdreg $0x60  }
0xbd: {  	[dreg:$0x2] =	wrdreg s18  }
0xbe: {  	[dreg:$0x3] =	wrdreg s24  }
0xbf: {  	[dreg:$0x4] =	wrdreg $0x51000  }
0xc0: {  	[dreg:$0x5] =	wrdreg $0xA  }
0xc1: {  	_ =	task.clear_ibuf [dreg:s22], $0x6FFFF;
	_ =	strace $0x90000049  }
0xc2: {  	s29 =	simm.s32 $0xA;
	_ =	strace $0x8000004B  }
0xc3: {  	_ =	swait.ge [sflag:s29], $0x1  }
0xc4: {  	[sflag:s29] =	ssyncadd.s32 $0xFFFFFFFF  }
0xc5: {  	_ =	strace $0x9000004B  }
0xc6: {  	_ =	sfence  }
0xc7: {  	s30 =	sld [smem:$0x0];
	_ =	sdelay $0x2  }
0xc8: {  	s31 =	sshll.u32 s1, $0xD;
	s1 =	sshrl.u32 s1, $0x2  }
0xc9: {  	s4 =	sand.u32 $0x4000, s31;
	s1 =	sadd.s32 s1, s30  }
0xca: {  	s0 =	sor.u32 s4, s0;
	s1 =	sshll.u32 s1, $0x11  }
0xcb: {  	s0 =	sor.u32 s1, s0  }
0xcc: {  	s0 =	sadd.s32 $0x8F2B, s0  }
0xcd: {  	[sflag:s0] =	ssyncadd.remote.s32 $0x1  }
0xce: {  	_ =	sfence.sel $0xFFFF  }
0xcf: {  	[dreg:$0x0] =	wrdreg $0xFFFFFFFF;
	(pc) =	sbr.abs _section_cstart, $3  }
0xd0: {  	[dreg:$0x1] =	wrdreg $0xFFFFFFFF  }
0xd1: {  	_ =	task.clear_ibuf [dreg:s22], $0x2FFFF;
	_ =	strace $0x9FFFFFFF  }
0xd2: {  	(tm) =	ssettm $0x7FFFFFFF  }
0xd3: {  	_ =	shalt  }
tec
execute0_lowered:
.L_overlay_start_1:
0x0: {  	(tag) =	ssettag $0x1  }
0x1: {  	s15 =	rddreg [dreg:$0x0]  }
0x2: {  	s6 =	rddreg [dreg:$0x1];
	s0 =	srdreg.scid  }
0x3: {  	s2 =	rddreg [dreg:$0x2];
	s1 =	stileid.u32  }
0x4: {  	s3 =	simm.s32 $0x0;
	s20 =	simm.s32 $0x2900;
	s5 =	smul.u32 $0x14000, s1  }
0x5: {  	s21 =	simm.s32 $0x80;
	s22 =	simm.s32 $0x50;
	s9 =	smul.u32 $0x280, s1  }
0x6: {  	s23 =	simm.s32 $0x1;
	s24 =	simm.s32 $0x0;
	s12 =	smul.u32 $0x4E20, s1  }
0x7: {  	s7 =	sand.u32 $0x1, s0;
	s0 =	rddreg [dreg:$0x3];
	s19 =	smul.u32 $0x50, s1  }
0x8: {  	[smem:$0x7FF] =	sst s3;
	s17 =	sadd.s32 $0xA800, s6;
	s4 =	smul.u32 $0x140000, s7  }
0x9: {  	_ =	strace $0x8000004A;
	s30 =	ssub.s32 $0x2, s7;
	s13 =	smul.u32 $0x2710, s7  }
0xa: {  	s31 =	sshrl.u32 s30, $0x1;
	s9 =	sshrl.u32 s9, $0x3;
	s5 =	sadd.s32 s5, s4  }
0xb: {  	s4 =	sadd.s32 $0xAE00, s6;
	s13 =	sadd.s32 s13, s12;
	s8 =	sshrl.u32 s5, $0x3  }
0xc: {  	s5 =	sadd.s32 $0x5B400, s6;
	s18 =	sshrl.u32 s13, $0x3;
	s16 =	sadd.s32 s8, s6  }
0xd: {  	s8 =	ssub.s32 s30, s31;
	s6 =	sadd.s32 s17, s9;
	s15 =	sadd.s32 s18, s15  }
0xe: {  	s17 =	sadd.s32 s19, s17;
	s18 =	simm.s32 $0x100;
	s19 =	simm.s32 $0x2  }
0xf: {  	s7 =	smax.u32 s8, $0x1;
	s8 =	sadd.s32 $0xA, s6;
	s9 =	sadd.s32 $0x14, s6  }
0x10: {  	s10 =	sadd.s32 $0x1E, s6;
	s11 =	sadd.s32 $0x28, s6;
	s12 =	sadd.s32 $0x32, s6  }
0x11: {  	s13 =	sadd.s32 $0x3C, s6;
	s14 =	sadd.s32 $0x46, s6;
	s16 =	sadd.s32 $0x5BA00, s16  }
.LBB2_1:
0x12: {  	[tilespmem:s18], [sflag:$0x2] =	stream.linear.gather [hbm4b:s4+s3], $0x2800, $0x38;
	[tilespmem:$0x19100] =	vst v63  }
0x13: {  	_ =	swait.ge [sflag:s19], $0x2800  }
0x14: {  	[sflag:s19] =	ssyncset.done $0x0  }
0x15: {  	[sflag:s19] =	ssyncadd.s32 $0xFFFFD800  }
0x16: {  	[tilespmem:s20], [sflag:$0x2] =	stream.linear.gather [hbm4b:s5+s3], $0x2800, $0x38;
	[tilespmem:$0x19100] =	vst v63  }
0x17: {  	_ =	swait.ge [sflag:s19], $0x2800  }
0x18: {  	[sflag:s19] =	ssyncset.done $0x0  }
0x19: {  	[sflag:s19] =	ssyncadd.s32 $0xFFFFD800  }
0x1a: {  	[tilespmem:s21], [sflag:$0x2] =	stream.linear.gather [hbm4b:s6+s3], $0x50, $0x38;
	[tilespmem:$0x19100] =	vst v63  }
0x1b: {  	_ =	swait.ge [sflag:s19], $0x50  }
0x1c: {  	[sflag:s19] =	ssyncset.done $0x0  }
0x1d: {  	[sflag:s19] =	ssyncadd.s32 $0xFFFFFFB0  }
0x1e: {  	[spmem:s2] =	stream.indirect.scatter [tilespmem:s18], [sflag:$0x2], $0x80, s21, s22, $0xb8;
	[tilespmem:$0x19100] =	vst v63  }
0x1f: {  	_ =	swait.ge [sflag:s19], $0x2800  }
0x20: {  	[sflag:s19] =	ssyncset.done $0x0  }
0x21: {  	[sflag:s19] =	ssyncadd.s32 $0xFFFFD800  }
0x22: {  	[tilespmem:s21], [sflag:$0x2] =	stream.linear.gather [hbm4b:s8+s3], $0x50, $0x38;
	[tilespmem:$0x19100] =	vst v63  }
0x23: {  	_ =	swait.ge [sflag:s19], $0x50  }
0x24: {  	[sflag:s19] =	ssyncset.done $0x0  }
0x25: {  	[sflag:s19] =	ssyncadd.s32 $0xFFFFFFB0  }
0x26: {  	[spmem:s2] =	stream.indirect.scatter [tilespmem:s18], [sflag:$0x2], $0x80, s21, s22, $0xb8;
	[tilespmem:$0x19100] =	vst v63  }
0x27: {  	_ =	swait.ge [sflag:s19], $0x2800  }
0x28: {  	[sflag:s19] =	ssyncset.done $0x0  }
0x29: {  	[sflag:s19] =	ssyncadd.s32 $0xFFFFD800  }
0x2a: {  	[tilespmem:s21], [sflag:$0x2] =	stream.linear.gather [hbm4b:s9+s3], $0x50, $0x38;
	[tilespmem:$0x19100] =	vst v63  }
0x2b: {  	_ =	swait.ge [sflag:s19], $0x50  }
0x2c: {  	[sflag:s19] =	ssyncset.done $0x0  }
0x2d: {  	[sflag:s19] =	ssyncadd.s32 $0xFFFFFFB0  }
0x2e: {  	[spmem:s2] =	stream.indirect.scatter [tilespmem:s18], [sflag:$0x2], $0x80, s21, s22, $0xb8;
	[tilespmem:$0x19100] =	vst v63  }
0x2f: {  	_ =	swait.ge [sflag:s19], $0x2800  }
0x30: {  	[sflag:s19] =	ssyncset.done $0x0  }
0x31: {  	[sflag:s19] =	ssyncadd.s32 $0xFFFFD800  }
0x32: {  	[tilespmem:s21], [sflag:$0x2] =	stream.linear.gather [hbm4b:s10+s3], $0x50, $0x38;
	[tilespmem:$0x19100] =	vst v63  }
0x33: {  	_ =	swait.ge [sflag:s19], $0x50  }
0x34: {  	[sflag:s19] =	ssyncset.done $0x0  }
0x35: {  	[sflag:s19] =	ssyncadd.s32 $0xFFFFFFB0  }
0x36: {  	[spmem:s2] =	stream.indirect.scatter [tilespmem:s18], [sflag:$0x2], $0x80, s21, s22, $0xb8;
	[tilespmem:$0x19100] =	vst v63  }
0x37: {  	_ =	swait.ge [sflag:s19], $0x2800  }
0x38: {  	[sflag:s19] =	ssyncset.done $0x0  }
0x39: {  	[sflag:s19] =	ssyncadd.s32 $0xFFFFD800  }
0x3a: {  	[tilespmem:s21], [sflag:$0x2] =	stream.linear.gather [hbm4b:s11+s3], $0x50, $0x38;
	[tilespmem:$0x19100] =	vst v63  }
0x3b: {  	_ =	swait.ge [sflag:s19], $0x50  }
0x3c: {  	[sflag:s19] =	ssyncset.done $0x0  }
0x3d: {  	[sflag:s19] =	ssyncadd.s32 $0xFFFFFFB0  }
0x3e: {  	[spmem:s2] =	stream.indirect.scatter [tilespmem:s18], [sflag:$0x2], $0x80, s21, s22, $0xb8;
	[tilespmem:$0x19100] =	vst v63  }
0x3f: {  	_ =	swait.ge [sflag:s19], $0x2800  }
0x40: {  	[sflag:s19] =	ssyncset.done $0x0  }
0x41: {  	[sflag:s19] =	ssyncadd.s32 $0xFFFFD800  }
0x42: {  	[tilespmem:s21], [sflag:$0x2] =	stream.linear.gather [hbm4b:s12+s3], $0x50, $0x38;
	[tilespmem:$0x19100] =	vst v63  }
0x43: {  	_ =	swait.ge [sflag:s19], $0x50  }
0x44: {  	[sflag:s19] =	ssyncset.done $0x0  }
0x45: {  	[sflag:s19] =	ssyncadd.s32 $0xFFFFFFB0  }
0x46: {  	[spmem:s2] =	stream.indirect.scatter [tilespmem:s18], [sflag:$0x2], $0x80, s21, s22, $0xb8;
	[tilespmem:$0x19100] =	vst v63  }
0x47: {  	_ =	swait.ge [sflag:s19], $0x2800  }
0x48: {  	[sflag:s19] =	ssyncset.done $0x0  }
0x49: {  	[sflag:s19] =	ssyncadd.s32 $0xFFFFD800  }
0x4a: {  	[tilespmem:s21], [sflag:$0x2] =	stream.linear.gather [hbm4b:s13+s3], $0x50, $0x38;
	[tilespmem:$0x19100] =	vst v63  }
0x4b: {  	_ =	swait.ge [sflag:s19], $0x50  }
0x4c: {  	[sflag:s19] =	ssyncset.done $0x0  }
0x4d: {  	[sflag:s19] =	ssyncadd.s32 $0xFFFFFFB0  }
0x4e: {  	[spmem:s2] =	stream.indirect.scatter [tilespmem:s18], [sflag:$0x2], $0x80, s21, s22, $0xb8;
	[tilespmem:$0x19100] =	vst v63  }
0x4f: {  	_ =	swait.ge [sflag:s19], $0x2800  }
0x50: {  	[sflag:s19] =	ssyncset.done $0x0  }
0x51: {  	[sflag:s19] =	ssyncadd.s32 $0xFFFFD800  }
0x52: {  	[tilespmem:s21], [sflag:$0x2] =	stream.linear.gather [hbm4b:s14+s3], $0x50, $0x38;
	[tilespmem:$0x19100] =	vst v63  }
0x53: {  	_ =	swait.ge [sflag:s19], $0x50  }
0x54: {  	[sflag:s19] =	ssyncset.done $0x0  }
0x55: {  	[sflag:s19] =	ssyncadd.s32 $0xFFFFFFB0  }
0x56: {  	[spmem:s2] =	stream.indirect.scatter [tilespmem:s18], [sflag:$0x2], $0x80, s21, s22, $0xb8;
	[tilespmem:$0x19100] =	vst v63  }
0x57: {  	_ =	swait.ge [sflag:s19], $0x2800  }
0x58: {  	[sflag:s19] =	ssyncset.done $0x0  }
0x59: {  	[sflag:s19] =	ssyncadd.s32 $0xFFFFD800  }
0x5a: {  	s25 =	sadd.s32 $0x0, s15;
	[bflag:$0x0] =	sbarrier.arrive $0xFFFF  }
0x5b: {  	[tilespmem:s3], [sflag:$0x2] =	stream.linear.gather [hbm4b:s25+s3], $0x50, $0x38;
	[tilespmem:$0x19100] =	vst v63  }
0x5c: {  	_ =	swait.ge [sflag:s19], $0x50  }
0x5d: {  	[sflag:s19] =	ssyncset.done $0x0  }
0x5e: {  	[sflag:s19] =	ssyncadd.s32 $0xFFFFFFB0  }
0x5f: {  	[spmem:s2] =	stream.indirect.scatter.add.f32 [tilespmem:s20], [sflag:$0x2], $0x80, s3, s22, $0xb8;
	[tilespmem:$0x19100] =	vst v63  }
0x60: {  	_ =	swait.ge [sflag:s19], $0x2800  }
0x61: {  	s26 =	simm.s32 $0x14;
	s25 =	simm.s32 $0xA;
	[sflag:s19] =	ssyncset.done $0x0  }
.LBB2_2:
0x62: {  	s28 =	sadd.s32 s25, s15  }
0x63: {  	[sflag:s19] =	ssyncadd.s32 $0xFFFFD800;
	s25 =	smov.u32 s26;
	s29 =	sadd.s32 $0xA, s26  }
0x64: {  	[tilespmem:s3], [sflag:$0x2] =	stream.linear.gather [hbm4b:s28+s3], $0x50, $0x38;
	[tilespmem:$0x19100] =	vst v63  }
0x65: {  	p0 =	sne.s32 s26, $0x4D8;
	_ =	swait.ge [sflag:s19], $0x50  }
.Ltmp0:
0x66: {  	[sflag:s19] =	ssyncset.done $0x0;
	(pc) =	sbr.rel @p0 .LBB2_2-.Ltmp0, $4  }
0x67: {  	[sflag:s19] =	ssyncadd.s32 $0xFFFFFFB0  }
0x68: {  	[spmem:s2] =	stream.indirect.scatter.add.f32 [tilespmem:s20], [sflag:$0x2], $0x80, s3, s22, $0xb8;
	[tilespmem:$0x19100] =	vst v63  }
0x69: {  	_ =	swait.ge [sflag:s19], $0x2800  }
0x6a: {  	s26 =	smov.u32 s29;
	[sflag:s19] =	ssyncset.done $0x0  }
0x6b: {  	s25 =	sadd.s32 s25, s15;
	[sflag:s19] =	ssyncadd.s32 $0xFFFFD800  }
0x6c: {  	[tilespmem:s3], [sflag:$0x2] =	stream.linear.gather [hbm4b:s25+s3], $0x50, $0x38;
	[tilespmem:$0x19100] =	vst v63  }
0x6d: {  	_ =	swait.ge [sflag:s19], $0x50  }
0x6e: {  	[sflag:s19] =	ssyncset.done $0x0  }
0x6f: {  	[sflag:s19] =	ssyncadd.s32 $0xFFFFFFB0  }
0x70: {  	[spmem:s2] =	stream.indirect.scatter.add.f32 [tilespmem:s20], [sflag:$0x2], $0x80, s3, s22, $0xb8;
	[tilespmem:$0x19100] =	vst v63  }
0x71: {  	_ =	swait.ge [sflag:s19], $0x2800  }
0x72: {  	[sflag:s19] =	ssyncset.done $0x0  }
0x73: {  	[sflag:s19] =	ssyncadd.s32 $0xFFFFD800  }
0x74: {  	s31 =	sadd.s32 $0x0, s17;
	[bflag:$0x0] =	sbarrier.arrive $0xFFFF  }
0x75: {  	[tilespmem:s21], [sflag:$0x2] =	stream.linear.gather [hbm4b:s31+s3], $0x50, $0x38;
	[tilespmem:$0x19100] =	vst v63  }
0x76: {  	_ =	swait.ge [sflag:s19], $0x50  }
0x77: {  	[sflag:s19] =	ssyncset.done $0x0  }
0x78: {  	[sflag:s19] =	ssyncadd.s32 $0xFFFFFFB0  }
0x79: {  	[tilespmem:s18], [sflag:$0x1] =	stream.indirect.gather [spmem:s2], $0x80, s21, s22, $0xb8;
	[tilespmem:$0x19100] =	vst v63  }
0x7a: {  	_ =	swait.ge [sflag:s23], $0x2800  }
0x7b: {  	[sflag:s23] =	ssyncset.done $0x0  }
0x7c: {  	[sflag:s23] =	ssyncadd.s32 $0xFFFFD800  }
0x7d: {  	[hbm4b:s16+s3] =	stream.linear.scatter [tilespmem:s18], [sflag:$0x2], $0x2800, $0x38;
	[tilespmem:$0x19100] =	vst v63  }
0x7e: {  	s26 =	simm.s32 $0xA;
	_ =	swait.ge [sflag:s19], $0x2800  }
0x7f: {  	s28 =	simm.s32 $0x14;
	s25 =	sadd.s32 $0x500, s16;
	[sflag:s19] =	ssyncset.done $0x0  }
.LBB2_4:
0x80: {  	s29 =	sadd.s32 s26, s17  }
0x81: {  	[sflag:s19] =	ssyncadd.s32 $0xFFFFD800;
	s26 =	smov.u32 s28;
	s30 =	sadd.s32 $0xA, s28  }
0x82: {  	[tilespmem:s21], [sflag:$0x2] =	stream.linear.gather [hbm4b:s29+s3], $0x50, $0x38;
	[tilespmem:$0x19100] =	vst v63  }
0x83: {  	p0 =	sne.s32 s28, $0x46;
	_ =	swait.ge [sflag:s19], $0x50  }
0x84: {  	[sflag:s19] =	ssyncset.done $0x0  }
0x85: {  	[sflag:s19] =	ssyncadd.s32 $0xFFFFFFB0  }
0x86: {  	[tilespmem:s18], [sflag:$0x1] =	stream.indirect.gather [spmem:s2], $0x80, s21, s22, $0xb8;
	[tilespmem:$0x19100] =	vst v63  }
0x87: {  	_ =	swait.ge [sflag:s23], $0x2800  }
.Ltmp1:
0x88: {  	[sflag:s23] =	ssyncset.done $0x0;
	(pc) =	sbr.rel @p0 .LBB2_4-.Ltmp1, $4  }
0x89: {  	[sflag:s23] =	ssyncadd.s32 $0xFFFFD800  }
0x8a: {  	[hbm4b:s25+s3] =	stream.linear.scatter [tilespmem:s18], [sflag:$0x2], $0x2800, $0x38;
	[tilespmem:$0x19100] =	vst v63  }
0x8b: {  	_ =	swait.ge [sflag:s19], $0x2800  }
0x8c: {  	s28 =	smov.u32 s30;
	s25 =	sadd.s32 $0x500, s25;
	[sflag:s19] =	ssyncset.done $0x0  }
0x8d: {  	s26 =	sadd.s32 s26, s17;
	[sflag:s19] =	ssyncadd.s32 $0xFFFFD800  }
0x8e: {  	[tilespmem:s21], [sflag:$0x2] =	stream.linear.gather [hbm4b:s26+s3], $0x50, $0x38;
	[tilespmem:$0x19100] =	vst v63  }
0x8f: {  	_ =	swait.ge [sflag:s19], $0x50  }
0x90: {  	[sflag:s19] =	ssyncset.done $0x0  }
0x91: {  	[sflag:s19] =	ssyncadd.s32 $0xFFFFFFB0  }
0x92: {  	[tilespmem:s18], [sflag:$0x1] =	stream.indirect.gather [spmem:s2], $0x80, s21, s22, $0xb8;
	[tilespmem:$0x19100] =	vst v63  }
0x93: {  	s24 =	sadd.s32 $0x1, s24;
	_ =	swait.ge [sflag:s23], $0x2800  }
0x94: {  	p0 =	sne.s32 s24, s7;
	[sflag:s23] =	ssyncset.done $0x0  }
.Ltmp2:
0x95: {  	[sflag:s23] =	ssyncadd.s32 $0xFFFFD800;
	(pc) =	sbr.rel @p0 .LBB2_1-.Ltmp2, $4  }
0x96: {  	[hbm4b:s25+s3] =	stream.linear.scatter [tilespmem:s18], [sflag:$0x2], $0x2800, $0x38;
	[tilespmem:$0x19100] =	vst v63  }
0x97: {  	_ =	swait.ge [sflag:s19], $0x2800  }
0x98: {  	[sflag:s19] =	ssyncset.done $0x0  }
0x99: {  	[sflag:s19] =	ssyncadd.s32 $0xFFFFD800  }
0x9a: {  	_ =	sfence.sel $0x180000  }
0x9b: {  	[bflag:$0x0] =	sbarrier.arrive $0xFFFF  }
0x9c: {  	p0 =	sne.s32 s1, $0x0;
	_ =	strace $0x9000004A  }
0x9d: {  	s0 =	sadd.s32 @!p0 $0x100000, s0;
	[bflag:$0x2] =	sbarrier.arrive $0xFFFF  }
0x9e: {  	[sflag:s0] =	ssyncadd.tile.s32 @!p0 $0x1;
	_ =	shalt  }
.Lfunc_end2:
_tile_overlayer_lowered:
.L_overlay_start_2:
0x9f: {  	(tag) =	ssettag $0x2  }
0xa0: {  	s0 =	rddreg [dreg:$0x0];
	s2 =	stileid.u32  }
0xa1: {  	s1 =	rddreg [dreg:$0x1];
	p0 =	sne.s32 s2, $0x0  }
0xa2: {  	s3 =	rddreg [dreg:$0x2];
	[bflag:$0x3] =	sbarrier.arrive $0xFFFF;
	s2 =	simm.s32 @!p0 $0x1C02  }
0xa3: {  	[timem:s3], [sflag:s2] =	dma.local @!p0 [hbm:s0], s1  }
0xa4: {  	s0 =	simm.s32 @!p0 $0x2  }
0xa5: {  	_ =	swait.ge @!p0 [sflag:s0], s1  }
0xa6: {  	s1 =	ssub.s32 @!p0 $0x0, s1;
	[sflag:s0] =	ssyncset.done @!p0 $0x0  }
0xa7: {  	[sflag:s0] =	ssyncadd.s32 @!p0 s1  }
0xa8: {  	[bflag:$0x3] =	sbarrier.arrive $0xFFFF  }
0xa9: {  	_ =	shalt  }

</sc_bundles>
